<compile_context>
chip_gen: v7x
topology: tpu7x:2x2x1
jax: 0.10.2.dev20260603
libtpu: 0.0.44.dev20260713+nightly
codegen_flags: <defaults>
</compile_context>

<pallas_src>
import jax
import jax.numpy as jnp
from jax.experimental import pallas as pl
from jax.experimental.pallas import tpu as pltpu

B, S, H, K = 512, 64, 256, 1024
H2, H4 = H // 2, H // 4


def _mm(a, w):
    return jax.lax.dot_general(a, w, (((1,), (0,)), ((), ())),
                               preferred_element_type=jnp.float32)


def _ln(h, g, b):
    m = jnp.mean(h, axis=-1, keepdims=True)
    v = jnp.mean((h - m) ** 2, axis=-1, keepdims=True)
    return (h - m) / jnp.sqrt(v + 1e-5) * g + b


def _vq_step(x_ref, cb_ref,
             eW1, eb1, eg1, ebn1, eW2, eb2, eg2, ebn2, eW3, eb3,
             er0W1, er0b1, er0W2, er0b2, er1W1, er1b1, er1W2, er1b2,
             dr0W1, dr0b1, dr0W2, dr0b2, dr1W1, dr1b1, dr1W2, dr1b2,
             dW1, db1, dg1, dbn1, dW2, db2, dg2, dbn2, dW3, db3,
             out_ref, oh_ref, loss_ref):
    s = pl.program_id(0)
    xrow = x_ref[0]
    xcol = xrow.T

    h = xcol * eW1[...] + eb1[...]
    h = jnp.tanh(_ln(h, eg1[...], ebn1[...]))
    h = jnp.tanh(_ln(_mm(h, eW2[...]) + eb2[...], eg2[...], ebn2[...]))
    h = _mm(h, eW3[...]) + eb3[...]
    for W1, b1, W2, b2 in ((er0W1, er0b1, er0W2, er0b2),
                           (er1W1, er1b1, er1W2, er1b2)):
        t = _mm(jax.nn.relu(h), W1[...]) + b1[...]
        t = _mm(jax.nn.relu(t), W2[...]) + b2[...]
        h = h + t
    h = jax.nn.relu(h)

    cb = cb_ref[0]
    x2 = jnp.sum(h * h, axis=-1, keepdims=True)
    e2 = jnp.sum(cb * cb, axis=-1)[None, :]
    xe = jax.lax.dot_general(h, cb, (((1,), (1,)), ((), ())),
                             preferred_element_type=jnp.float32)
    dist = x2 + e2 - 2.0 * xe
    mind = jnp.min(dist, axis=-1, keepdims=True)
    iota = jax.lax.broadcasted_iota(jnp.int32, (B, K), 1)
    idx = jnp.min(jnp.where(dist == mind, iota, K), axis=-1, keepdims=True)
    onehot = (iota == idx).astype(jnp.float32)
    oh_ref[...] = onehot

    q = _mm(onehot, cb)
    commit_part = jnp.sum((q - h) ** 2)
    d = h + (q - h)

    for W1, b1, W2, b2 in ((dr0W1, dr0b1, dr0W2, dr0b2),
                           (dr1W1, dr1b1, dr1W2, dr1b2)):
        t = _mm(jax.nn.relu(d), W1[...]) + b1[...]
        t = _mm(jax.nn.relu(t), W2[...]) + b2[...]
        d = d + t
    d = jax.nn.relu(d)
    d = jnp.tanh(_ln(_mm(d, dW1[...]) + db1[...], dg1[...], dbn1[...]))
    d = jnp.tanh(_ln(_mm(d, dW2[...]) + db2[...], dg2[...], dbn2[...]))
    orow = jax.lax.dot_general(dW3[...], d, (((0,), (1,)), ((), ())),
                               preferred_element_type=jnp.float32) + db3[...]
    out_ref[0] = orow

    recons_part = jnp.sum((orow - xrow) ** 2)
    part = commit_part / (B * S * H) + recons_part / (B * S)

    @pl.when(s == 0)
    def _init():
        loss_ref[...] = jnp.zeros((1, 1), jnp.float32)
    loss_ref[...] += jnp.reshape(part, (1, 1))


def _full(shape):
    nd = len(shape)
    return pl.BlockSpec(shape, lambda s, _nd=nd: (0,) * _nd)


def kernel(x, params):
    p = params
    x_t = x.T.reshape(S, 1, B)

    def w2(a):
        return a.reshape(1, -1) if a.ndim == 1 else a

    flat = [p['eW1'], p['eb1'], p['eg1'], p['ebn1'],
            p['eW2'], p['eb2'], p['eg2'], p['ebn2'],
            p['eW3'], p['eb3']]
    for lay in p['enc_res']:
        flat.extend(lay)
    for lay in p['dec_res']:
        flat.extend(lay)
    flat.extend([p['dW1'], p['db1'], p['dg1'], p['dbn1'],
                 p['dW2'], p['db2'], p['dg2'], p['dbn2'],
                 p['dW3'], p['db3']])
    flat = [w2(a) for a in flat]

    in_specs = [pl.BlockSpec((1, 1, B), lambda s: (s, 0, 0)),
                pl.BlockSpec((1, K, H), lambda s: (s, 0, 0))]
    in_specs += [_full(a.shape) for a in flat]

    out_t, oh2d, loss = pl.pallas_call(
        _vq_step,
        grid=(S,),
        in_specs=in_specs,
        out_specs=[pl.BlockSpec((1, 1, B), lambda s: (s, 0, 0)),
                   pl.BlockSpec((B, K), lambda s: (0, s)),
                   pl.BlockSpec((1, 1), lambda s: (0, 0))],
        out_shape=[jax.ShapeDtypeStruct((S, 1, B), jnp.float32),
                   jax.ShapeDtypeStruct((B, S * K), jnp.float32),
                   jax.ShapeDtypeStruct((1, 1), jnp.float32)],
        compiler_params=pltpu.CompilerParams(
            dimension_semantics=("arbitrary",)),
    )(x_t, p['codebooks'], *flat)

    out = out_t.reshape(S, B).T
    onehot = oh2d.reshape(B, S, K)
    return out, loss[0, 0], onehot

# --- scband reference (transcript-rebuilt; emitter-appended) ---
"""Pipeline reference for scband-symbolization-1872605741839 (READ-ONLY COPY).

The authoritative reference and input builder live on the scoring server;
editing this copy changes nothing except your own understanding.
"""

import jax, jax.numpy as jnp
import numpy as np

B, S, H, K, NRES = 512, 64, 256, 1024, 2
H2, H4 = H // 2, H // 4

def _ln(x, g, b):
    m = jnp.mean(x, axis=-1, keepdims=True)
    v = jnp.mean((x - m) ** 2, axis=-1, keepdims=True)
    return (x - m) / jnp.sqrt(v + 1e-5) * g + b

def _res_stack(x, layers):
    for (W1, b1, W2, b2) in layers:
        h = jax.nn.relu(x) @ W1 + b1
        h = jax.nn.relu(h) @ W2 + b2
        x = x + h
    return jax.nn.relu(x)

def setup_inputs(seed: int = 0):
    key = jax.random.key(seed)
    ks = iter(jax.random.split(key, 64))
    def nk():
        return next(ks)
    def lin(i, o, s=0.02):
        return jax.random.normal(nk(), (i, o), jnp.float32) * s
    x = jax.random.normal(nk(), (B, S), jnp.float32)
    params = {
        'eW1': lin(1, H4), 'eb1': jnp.zeros((H4,)), 'eg1': jnp.ones((H4,)), 'ebn1': jnp.zeros((H4,)),
        'eW2': lin(H4, H2), 'eb2': jnp.zeros((H2,)), 'eg2': jnp.ones((H2,)), 'ebn2': jnp.zeros((H2,)),
        'eW3': lin(H2, H), 'eb3': jnp.zeros((H,)),
        'enc_res': [(lin(H, H2), jnp.zeros((H2,)), lin(H2, H), jnp.zeros((H,))) for _ in range(NRES)],
        'codebooks': jax.random.normal(nk(), (S, K, H), jnp.float32),
        'dec_res': [(lin(H, H2), jnp.zeros((H2,)), lin(H2, H), jnp.zeros((H,))) for _ in range(NRES)],
        'dW1': lin(H, H2), 'db1': jnp.zeros((H2,)), 'dg1': jnp.ones((H2,)), 'dbn1': jnp.zeros((H2,)),
        'dW2': lin(H2, H4), 'db2': jnp.zeros((H4,)), 'dg2': jnp.ones((H4,)), 'dbn2': jnp.zeros((H4,)),
        'dW3': lin(H4, 1), 'db3': jnp.zeros((1,)),
    }
    return {'x': x, 'params': params}

def _forward(x, params):
    h = x[..., None]
    h = jnp.tanh(_ln(h @ params['eW1'] + params['eb1'], params['eg1'], params['ebn1']))
    h = jnp.tanh(_ln(h @ params['eW2'] + params['eb2'], params['eg2'], params['ebn2']))
    h = h @ params['eW3'] + params['eb3']
    h = _res_stack(h, params['enc_res'])
    cb = params['codebooks']
    x2 = jnp.sum(h ** 2, axis=-1, keepdims=True)
    e2 = jnp.sum(cb ** 2, axis=-1)
    xe = jnp.einsum('bsd,skd->bsk', h, cb)
    dist = x2 + e2[None, :, :] - 2.0 * xe
    idx = jnp.argmin(dist, axis=-1)
    onehot = jax.nn.one_hot(idx, K, dtype=jnp.float32)
    q = jnp.einsum('bsk,skd->bsd', onehot, cb)
    commit = jnp.mean((jax.lax.stop_gradient(q) - h) ** 2)
    q_st = h + jax.lax.stop_gradient(q - h)
    d = _res_stack(q_st, params['dec_res'])
    d = jnp.tanh(_ln(d @ params['dW1'] + params['db1'], params['dg1'], params['dbn1']))
    d = jnp.tanh(_ln(d @ params['dW2'] + params['db2'], params['dg2'], params['dbn2']))
    out = (d @ params['dW3'] + params['db3'])[..., 0]
    recons = jnp.mean((out - x) ** 2)
    return out, recons + commit, onehot

def reference(x, params):
    return _forward(x, params)

if __name__ == "__main__":
    import jax
    _d = setup_inputs()
    print(jax.jit(kernel)(*tuple(_d.values())))

</pallas_src>

<mosaic_0001>
module attributes {stable_mosaic.version = 14 : i64} {
  func.func @_vq_step(%arg0: i32, %arg1: memref<1x1x512xf32, #tpu.memory_space<vmem>>, %arg2: memref<1x1024x256xf32, #tpu.memory_space<vmem>>, %arg3: memref<1x64xf32, #tpu.memory_space<vmem>>, %arg4: memref<1x64xf32, #tpu.memory_space<vmem>>, %arg5: memref<1x64xf32, #tpu.memory_space<vmem>>, %arg6: memref<1x64xf32, #tpu.memory_space<vmem>>, %arg7: memref<64x128xf32, #tpu.memory_space<vmem>>, %arg8: memref<1x128xf32, #tpu.memory_space<vmem>>, %arg9: memref<1x128xf32, #tpu.memory_space<vmem>>, %arg10: memref<1x128xf32, #tpu.memory_space<vmem>>, %arg11: memref<128x256xf32, #tpu.memory_space<vmem>>, %arg12: memref<1x256xf32, #tpu.memory_space<vmem>>, %arg13: memref<256x128xf32, #tpu.memory_space<vmem>>, %arg14: memref<1x128xf32, #tpu.memory_space<vmem>>, %arg15: memref<128x256xf32, #tpu.memory_space<vmem>>, %arg16: memref<1x256xf32, #tpu.memory_space<vmem>>, %arg17: memref<256x128xf32, #tpu.memory_space<vmem>>, %arg18: memref<1x128xf32, #tpu.memory_space<vmem>>, %arg19: memref<128x256xf32, #tpu.memory_space<vmem>>, %arg20: memref<1x256xf32, #tpu.memory_space<vmem>>, %arg21: memref<256x128xf32, #tpu.memory_space<vmem>>, %arg22: memref<1x128xf32, #tpu.memory_space<vmem>>, %arg23: memref<128x256xf32, #tpu.memory_space<vmem>>, %arg24: memref<1x256xf32, #tpu.memory_space<vmem>>, %arg25: memref<256x128xf32, #tpu.memory_space<vmem>>, %arg26: memref<1x128xf32, #tpu.memory_space<vmem>>, %arg27: memref<128x256xf32, #tpu.memory_space<vmem>>, %arg28: memref<1x256xf32, #tpu.memory_space<vmem>>, %arg29: memref<256x128xf32, #tpu.memory_space<vmem>>, %arg30: memref<1x128xf32, #tpu.memory_space<vmem>>, %arg31: memref<1x128xf32, #tpu.memory_space<vmem>>, %arg32: memref<1x128xf32, #tpu.memory_space<vmem>>, %arg33: memref<128x64xf32, #tpu.memory_space<vmem>>, %arg34: memref<1x64xf32, #tpu.memory_space<vmem>>, %arg35: memref<1x64xf32, #tpu.memory_space<vmem>>, %arg36: memref<1x64xf32, #tpu.memory_space<vmem>>, %arg37: memref<64x1xf32, #tpu.memory_space<vmem>>, %arg38: memref<1x1xf32, #tpu.memory_space<vmem>>, %arg39: memref<1x1x512xf32, #tpu.memory_space<vmem>>, %arg40: memref<512x1024xf32, #tpu.memory_space<vmem>>, %arg41: memref<1x1xf32, #tpu.memory_space<vmem>>) attributes {dimension_semantics = [#tpu.dimension_semantics<arbitrary>], iteration_bounds = array<i64: 64>, scalar_prefetch = 0 : i64, scratch_operands = 0 : i64, tpu.core_type = #tpu.core_type<tc>, window_params = [{transform_indices = @transform_0, window_bounds = array<i64: 1, 1, 512>}, {transform_indices = @transform_1, window_bounds = array<i64: 1, 1024, 256>}, {pipeline_mode = #tpu.pipeline_mode<synchronous>, transform_indices = @transform_2, window_bounds = array<i64: 1, 64>}, {pipeline_mode = #tpu.pipeline_mode<synchronous>, transform_indices = @transform_3, window_bounds = array<i64: 1, 64>}, {pipeline_mode = #tpu.pipeline_mode<synchronous>, transform_indices = @transform_4, window_bounds = array<i64: 1, 64>}, {pipeline_mode = #tpu.pipeline_mode<synchronous>, transform_indices = @transform_5, window_bounds = array<i64: 1, 64>}, {pipeline_mode = #tpu.pipeline_mode<synchronous>, transform_indices = @transform_6, window_bounds = array<i64: 64, 128>}, {pipeline_mode = #tpu.pipeline_mode<synchronous>, transform_indices = @transform_7, window_bounds = array<i64: 1, 128>}, {pipeline_mode = #tpu.pipeline_mode<synchronous>, transform_indices = @transform_8, window_bounds = array<i64: 1, 128>}, {pipeline_mode = #tpu.pipeline_mode<synchronous>, transform_indices = @transform_9, window_bounds = array<i64: 1, 128>}, {pipeline_mode = #tpu.pipeline_mode<synchronous>, transform_indices = @transform_10, window_bounds = array<i64: 128, 256>}, {pipeline_mode = #tpu.pipeline_mode<synchronous>, transform_indices = @transform_11, window_bounds = array<i64: 1, 256>}, {pipeline_mode = #tpu.pipeline_mode<synchronous>, transform_indices = @transform_12, window_bounds = array<i64: 256, 128>}, {pipeline_mode = #tpu.pipeline_mode<synchronous>, transform_indices = @transform_13, window_bounds = array<i64: 1, 128>}, {pipeline_mode = #tpu.pipeline_mode<synchronous>, transform_indices = @transform_14, window_bounds = array<i64: 128, 256>}, {pipeline_mode = #tpu.pipeline_mode<synchronous>, transform_indices = @transform_15, window_bounds = array<i64: 1, 256>}, {pipeline_mode = #tpu.pipeline_mode<synchronous>, transform_indices = @transform_16, window_bounds = array<i64: 256, 128>}, {pipeline_mode = #tpu.pipeline_mode<synchronous>, transform_indices = @transform_17, window_bounds = array<i64: 1, 128>}, {pipeline_mode = #tpu.pipeline_mode<synchronous>, transform_indices = @transform_18, window_bounds = array<i64: 128, 256>}, {pipeline_mode = #tpu.pipeline_mode<synchronous>, transform_indices = @transform_19, window_bounds = array<i64: 1, 256>}, {pipeline_mode = #tpu.pipeline_mode<synchronous>, transform_indices = @transform_20, window_bounds = array<i64: 256, 128>}, {pipeline_mode = #tpu.pipeline_mode<synchronous>, transform_indices = @transform_21, window_bounds = array<i64: 1, 128>}, {pipeline_mode = #tpu.pipeline_mode<synchronous>, transform_indices = @transform_22, window_bounds = array<i64: 128, 256>}, {pipeline_mode = #tpu.pipeline_mode<synchronous>, transform_indices = @transform_23, window_bounds = array<i64: 1, 256>}, {pipeline_mode = #tpu.pipeline_mode<synchronous>, transform_indices = @transform_24, window_bounds = array<i64: 256, 128>}, {pipeline_mode = #tpu.pipeline_mode<synchronous>, transform_indices = @transform_25, window_bounds = array<i64: 1, 128>}, {pipeline_mode = #tpu.pipeline_mode<synchronous>, transform_indices = @transform_26, window_bounds = array<i64: 128, 256>}, {pipeline_mode = #tpu.pipeline_mode<synchronous>, transform_indices = @transform_27, window_bounds = array<i64: 1, 256>}, {pipeline_mode = #tpu.pipeline_mode<synchronous>, transform_indices = @transform_28, window_bounds = array<i64: 256, 128>}, {pipeline_mode = #tpu.pipeline_mode<synchronous>, transform_indices = @transform_29, window_bounds = array<i64: 1, 128>}, {pipeline_mode = #tpu.pipeline_mode<synchronous>, transform_indices = @transform_30, window_bounds = array<i64: 1, 128>}, {pipeline_mode = #tpu.pipeline_mode<synchronous>, transform_indices = @transform_31, window_bounds = array<i64: 1, 128>}, {pipeline_mode = #tpu.pipeline_mode<synchronous>, transform_indices = @transform_32, window_bounds = array<i64: 128, 64>}, {pipeline_mode = #tpu.pipeline_mode<synchronous>, transform_indices = @transform_33, window_bounds = array<i64: 1, 64>}, {pipeline_mode = #tpu.pipeline_mode<synchronous>, transform_indices = @transform_34, window_bounds = array<i64: 1, 64>}, {pipeline_mode = #tpu.pipeline_mode<synchronous>, transform_indices = @transform_35, window_bounds = array<i64: 1, 64>}, {pipeline_mode = #tpu.pipeline_mode<synchronous>, transform_indices = @transform_36, window_bounds = array<i64: 64, 1>}, {pipeline_mode = #tpu.pipeline_mode<synchronous>, transform_indices = @transform_37, window_bounds = array<i64: 1, 1>}, {transform_indices = @transform_38, window_bounds = array<i64: 1, 1, 512>}, {transform_indices = @transform_39, window_bounds = array<i64: 512, 1024>}, {pipeline_mode = #tpu.pipeline_mode<synchronous>, transform_indices = @transform_40, window_bounds = array<i64: 1, 1>}]} {
    %get3A = arith.constant 0 : index
    %get3A_0 = arith.constant 0 : index
    %get3A_1 = arith.constant 0 : index
    %get3A_2 = vector.load %arg1[%get3A, %get3A_0, %get3A_1] : memref<1x1x512xf32, #tpu.memory_space<vmem>>, vector<1x1x512xf32>
    %get3A_3 = vector.shape_cast %get3A_2 : vector<1x1x512xf32> to vector<1x512xf32>
    %transpose3A = tpu.transpose %get3A_3, [1, 0] : vector<1x512xf32> -> vector<512x1xf32>
    %get3A_4 = arith.constant 0 : index
    %get3A_5 = arith.constant 0 : index
    %get3A_6 = vector.load %arg3[%get3A_4, %get3A_5] : memref<1x64xf32, #tpu.memory_space<vmem>>, vector<1x64xf32>
    %mul3A = vector.broadcast %transpose3A : vector<512x1xf32> to vector<512x64xf32>
    %mul3A_7 = vector.broadcast %get3A_6 : vector<1x64xf32> to vector<512x64xf32>
    %mul3A_8 = arith.mulf %mul3A, %mul3A_7 : vector<512x64xf32>
    %get3A_9 = arith.constant 0 : index
    %get3A_10 = arith.constant 0 : index
    %get3A_11 = vector.load %arg4[%get3A_9, %get3A_10] : memref<1x64xf32, #tpu.memory_space<vmem>>, vector<1x64xf32>
    %add3A = vector.broadcast %get3A_11 : vector<1x64xf32> to vector<512x64xf32>
    %add3A_12 = arith.addf %mul3A_8, %add3A : vector<512x64xf32>
    %get3A_13 = arith.constant 0 : index
    %get3A_14 = arith.constant 0 : index
    %get3A_15 = vector.load %arg5[%get3A_13, %get3A_14] : memref<1x64xf32, #tpu.memory_space<vmem>>, vector<1x64xf32>
    %get3A_16 = arith.constant 0 : index
    %get3A_17 = arith.constant 0 : index
    %get3A_18 = vector.load %arg6[%get3A_16, %get3A_17] : memref<1x64xf32, #tpu.memory_space<vmem>>, vector<1x64xf32>
    %reduce_sum3A = arith.constant dense<0.000000e+00> : vector<512xf32>
    %reduce_sum3A_19 = vector.multi_reduction <add>, %add3A_12, %reduce_sum3A [1] : vector<512x64xf32> to vector<512xf32>
    %broadcast_in_dim3A = vector.shape_cast %reduce_sum3A_19 : vector<512xf32> to vector<512x1xf32>
    %div3A = arith.constant 6.400000e+01 : f32
    %div3A_20 = vector.broadcast %div3A : f32 to vector<512x1xf32>
    %div3A_21 = arith.divf %broadcast_in_dim3A, %div3A_20 : vector<512x1xf32>
    %sub3A = vector.broadcast %div3A_21 : vector<512x1xf32> to vector<512x64xf32>
    %sub3A_22 = arith.subf %add3A_12, %sub3A : vector<512x64xf32>
    %integer_pow3A = arith.mulf %sub3A_22, %sub3A_22 : vector<512x64xf32>
    %reduce_sum3A_23 = arith.constant dense<0.000000e+00> : vector<512xf32>
    %reduce_sum3A_24 = vector.multi_reduction <add>, %integer_pow3A, %reduce_sum3A_23 [1] : vector<512x64xf32> to vector<512xf32>
    %broadcast_in_dim3A_25 = vector.shape_cast %reduce_sum3A_24 : vector<512xf32> to vector<512x1xf32>
    %div3A_26 = arith.constant 6.400000e+01 : f32
    %div3A_27 = vector.broadcast %div3A_26 : f32 to vector<512x1xf32>
    %div3A_28 = arith.divf %broadcast_in_dim3A_25, %div3A_27 : vector<512x1xf32>
    %sub3A_29 = vector.broadcast %div3A_21 : vector<512x1xf32> to vector<512x64xf32>
    %sub3A_30 = arith.subf %add3A_12, %sub3A_29 : vector<512x64xf32>
    %add3A_31 = arith.constant 9.99999974E-6 : f32
    %add3A_32 = vector.broadcast %add3A_31 : f32 to vector<512x1xf32>
    %add3A_33 = arith.addf %div3A_28, %add3A_32 : vector<512x1xf32>
    %sqrt3A = math.sqrt %add3A_33 : vector<512x1xf32>
    %div3A_34 = vector.broadcast %sqrt3A : vector<512x1xf32> to vector<512x64xf32>
    %div3A_35 = arith.divf %sub3A_30, %div3A_34 : vector<512x64xf32>
    %mul3A_36 = vector.broadcast %get3A_15 : vector<1x64xf32> to vector<512x64xf32>
    %mul3A_37 = arith.mulf %div3A_35, %mul3A_36 : vector<512x64xf32>
    %add3A_38 = vector.broadcast %get3A_18 : vector<1x64xf32> to vector<512x64xf32>
    %add3A_39 = arith.addf %mul3A_37, %add3A_38 : vector<512x64xf32>
    %tanh3A = math.tanh %add3A_39 : vector<512x64xf32>
    %get3A_40 = arith.constant 0 : index
    %get3A_41 = arith.constant 0 : index
    %get3A_42 = vector.load %arg7[%get3A_40, %get3A_41] : memref<64x128xf32, #tpu.memory_space<vmem>>, vector<64x128xf32>
    %dot_general3A = arith.constant dense<0.000000e+00> : vector<512x128xf32>
    %dot_general3A_43 = tpu.matmul %tanh3A, %get3A_42, %dot_general3A {dimension_numbers = #tpu.dot_dimension_numbers<[1], [0], [0], [1], [0, 0, 1, 1], [], []>, transpose_lhs_hint = false} : vector<512x64xf32>, vector<64x128xf32>, vector<512x128xf32> -> vector<512x128xf32>
    %get3A_44 = arith.constant 0 : index
    %get3A_45 = arith.constant 0 : index
    %get3A_46 = vector.load %arg8[%get3A_44, %get3A_45] : memref<1x128xf32, #tpu.memory_space<vmem>>, vector<1x128xf32>
    %add3A_47 = vector.broadcast %get3A_46 : vector<1x128xf32> to vector<512x128xf32>
    %add3A_48 = arith.addf %dot_general3A_43, %add3A_47 : vector<512x128xf32>
    %get3A_49 = arith.constant 0 : index
    %get3A_50 = arith.constant 0 : index
    %get3A_51 = vector.load %arg9[%get3A_49, %get3A_50] : memref<1x128xf32, #tpu.memory_space<vmem>>, vector<1x128xf32>
    %get3A_52 = arith.constant 0 : index
    %get3A_53 = arith.constant 0 : index
    %get3A_54 = vector.load %arg10[%get3A_52, %get3A_53] : memref<1x128xf32, #tpu.memory_space<vmem>>, vector<1x128xf32>
    %reduce_sum3A_55 = arith.constant dense<0.000000e+00> : vector<512xf32>
    %reduce_sum3A_56 = vector.multi_reduction <add>, %add3A_48, %reduce_sum3A_55 [1] : vector<512x128xf32> to vector<512xf32>
    %broadcast_in_dim3A_57 = vector.shape_cast %reduce_sum3A_56 : vector<512xf32> to vector<512x1xf32>
    %div3A_58 = arith.constant 1.280000e+02 : f32
    %div3A_59 = vector.broadcast %div3A_58 : f32 to vector<512x1xf32>
    %div3A_60 = arith.divf %broadcast_in_dim3A_57, %div3A_59 : vector<512x1xf32>
    %sub3A_61 = vector.broadcast %div3A_60 : vector<512x1xf32> to vector<512x128xf32>
    %sub3A_62 = arith.subf %add3A_48, %sub3A_61 : vector<512x128xf32>
    %integer_pow3A_63 = arith.mulf %sub3A_62, %sub3A_62 : vector<512x128xf32>
    %reduce_sum3A_64 = arith.constant dense<0.000000e+00> : vector<512xf32>
    %reduce_sum3A_65 = vector.multi_reduction <add>, %integer_pow3A_63, %reduce_sum3A_64 [1] : vector<512x128xf32> to vector<512xf32>
    %broadcast_in_dim3A_66 = vector.shape_cast %reduce_sum3A_65 : vector<512xf32> to vector<512x1xf32>
    %div3A_67 = arith.constant 1.280000e+02 : f32
    %div3A_68 = vector.broadcast %div3A_67 : f32 to vector<512x1xf32>
    %div3A_69 = arith.divf %broadcast_in_dim3A_66, %div3A_68 : vector<512x1xf32>
    %sub3A_70 = vector.broadcast %div3A_60 : vector<512x1xf32> to vector<512x128xf32>
    %sub3A_71 = arith.subf %add3A_48, %sub3A_70 : vector<512x128xf32>
    %add3A_72 = arith.constant 9.99999974E-6 : f32
    %add3A_73 = vector.broadcast %add3A_72 : f32 to vector<512x1xf32>
    %add3A_74 = arith.addf %div3A_69, %add3A_73 : vector<512x1xf32>
    %sqrt3A_75 = math.sqrt %add3A_74 : vector<512x1xf32>
    %div3A_76 = vector.broadcast %sqrt3A_75 : vector<512x1xf32> to vector<512x128xf32>
    %div3A_77 = arith.divf %sub3A_71, %div3A_76 : vector<512x128xf32>
    %mul3A_78 = vector.broadcast %get3A_51 : vector<1x128xf32> to vector<512x128xf32>
    %mul3A_79 = arith.mulf %div3A_77, %mul3A_78 : vector<512x128xf32>
    %add3A_80 = vector.broadcast %get3A_54 : vector<1x128xf32> to vector<512x128xf32>
    %add3A_81 = arith.addf %mul3A_79, %add3A_80 : vector<512x128xf32>
    %tanh3A_82 = math.tanh %add3A_81 : vector<512x128xf32>
    %get3A_83 = arith.constant 0 : index
    %get3A_84 = arith.constant 0 : index
    %get3A_85 = vector.load %arg11[%get3A_83, %get3A_84] : memref<128x256xf32, #tpu.memory_space<vmem>>, vector<128x256xf32>
    %dot_general3A_86 = arith.constant dense<0.000000e+00> : vector<512x256xf32>
    %dot_general3A_87 = tpu.matmul %tanh3A_82, %get3A_85, %dot_general3A_86 {dimension_numbers = #tpu.dot_dimension_numbers<[1], [0], [0], [1], [0, 0, 1, 1], [], []>, transpose_lhs_hint = false} : vector<512x128xf32>, vector<128x256xf32>, vector<512x256xf32> -> vector<512x256xf32>
    %get3A_88 = arith.constant 0 : index
    %get3A_89 = arith.constant 0 : index
    %get3A_90 = vector.load %arg12[%get3A_88, %get3A_89] : memref<1x256xf32, #tpu.memory_space<vmem>>, vector<1x256xf32>
    %add3A_91 = vector.broadcast %get3A_90 : vector<1x256xf32> to vector<512x256xf32>
    %add3A_92 = arith.addf %dot_general3A_87, %add3A_91 : vector<512x256xf32>
    %max3A = arith.constant 0.000000e+00 : f32
    %max3A_93 = vector.broadcast %max3A : f32 to vector<512x256xf32>
    %max3A_94 = arith.maximumf %add3A_92, %max3A_93 : vector<512x256xf32>
    %get3A_95 = arith.constant 0 : index
    %get3A_96 = arith.constant 0 : index
    %get3A_97 = vector.load %arg13[%get3A_95, %get3A_96] : memref<256x128xf32, #tpu.memory_space<vmem>>, vector<256x128xf32>
    %dot_general3A_98 = arith.constant dense<0.000000e+00> : vector<512x128xf32>
    %dot_general3A_99 = tpu.matmul %max3A_94, %get3A_97, %dot_general3A_98 {dimension_numbers = #tpu.dot_dimension_numbers<[1], [0], [0], [1], [0, 0, 1, 1], [], []>, transpose_lhs_hint = false} : vector<512x256xf32>, vector<256x128xf32>, vector<512x128xf32> -> vector<512x128xf32>
    %get3A_100 = arith.constant 0 : index
    %get3A_101 = arith.constant 0 : index
    %get3A_102 = vector.load %arg14[%get3A_100, %get3A_101] : memref<1x128xf32, #tpu.memory_space<vmem>>, vector<1x128xf32>
    %add3A_103 = vector.broadcast %get3A_102 : vector<1x128xf32> to vector<512x128xf32>
    %add3A_104 = arith.addf %dot_general3A_99, %add3A_103 : vector<512x128xf32>
    %max3A_105 = arith.constant 0.000000e+00 : f32
    %max3A_106 = vector.broadcast %max3A_105 : f32 to vector<512x128xf32>
    %max3A_107 = arith.maximumf %add3A_104, %max3A_106 : vector<512x128xf32>
    %get3A_108 = arith.constant 0 : index
    %get3A_109 = arith.constant 0 : index
    %get3A_110 = vector.load %arg15[%get3A_108, %get3A_109] : memref<128x256xf32, #tpu.memory_space<vmem>>, vector<128x256xf32>
    %dot_general3A_111 = arith.constant dense<0.000000e+00> : vector<512x256xf32>
    %dot_general3A_112 = tpu.matmul %max3A_107, %get3A_110, %dot_general3A_111 {dimension_numbers = #tpu.dot_dimension_numbers<[1], [0], [0], [1], [0, 0, 1, 1], [], []>, transpose_lhs_hint = false} : vector<512x128xf32>, vector<128x256xf32>, vector<512x256xf32> -> vector<512x256xf32>
    %get3A_113 = arith.constant 0 : index
    %get3A_114 = arith.constant 0 : index
    %get3A_115 = vector.load %arg16[%get3A_113, %get3A_114] : memref<1x256xf32, #tpu.memory_space<vmem>>, vector<1x256xf32>
    %add3A_116 = vector.broadcast %get3A_115 : vector<1x256xf32> to vector<512x256xf32>
    %add3A_117 = arith.addf %dot_general3A_112, %add3A_116 : vector<512x256xf32>
    %add3A_118 = arith.addf %add3A_92, %add3A_117 : vector<512x256xf32>
    %max3A_119 = arith.constant 0.000000e+00 : f32
    %max3A_120 = vector.broadcast %max3A_119 : f32 to vector<512x256xf32>
    %max3A_121 = arith.maximumf %add3A_118, %max3A_120 : vector<512x256xf32>
    %get3A_122 = arith.constant 0 : index
    %get3A_123 = arith.constant 0 : index
    %get3A_124 = vector.load %arg17[%get3A_122, %get3A_123] : memref<256x128xf32, #tpu.memory_space<vmem>>, vector<256x128xf32>
    %dot_general3A_125 = arith.constant dense<0.000000e+00> : vector<512x128xf32>
    %dot_general3A_126 = tpu.matmul %max3A_121, %get3A_124, %dot_general3A_125 {dimension_numbers = #tpu.dot_dimension_numbers<[1], [0], [0], [1], [0, 0, 1, 1], [], []>, transpose_lhs_hint = false} : vector<512x256xf32>, vector<256x128xf32>, vector<512x128xf32> -> vector<512x128xf32>
    %get3A_127 = arith.constant 0 : index
    %get3A_128 = arith.constant 0 : index
    %get3A_129 = vector.load %arg18[%get3A_127, %get3A_128] : memref<1x128xf32, #tpu.memory_space<vmem>>, vector<1x128xf32>
    %add3A_130 = vector.broadcast %get3A_129 : vector<1x128xf32> to vector<512x128xf32>
    %add3A_131 = arith.addf %dot_general3A_126, %add3A_130 : vector<512x128xf32>
    %max3A_132 = arith.constant 0.000000e+00 : f32
    %max3A_133 = vector.broadcast %max3A_132 : f32 to vector<512x128xf32>
    %max3A_134 = arith.maximumf %add3A_131, %max3A_133 : vector<512x128xf32>
    %get3A_135 = arith.constant 0 : index
    %get3A_136 = arith.constant 0 : index
    %get3A_137 = vector.load %arg19[%get3A_135, %get3A_136] : memref<128x256xf32, #tpu.memory_space<vmem>>, vector<128x256xf32>
    %dot_general3A_138 = arith.constant dense<0.000000e+00> : vector<512x256xf32>
    %dot_general3A_139 = tpu.matmul %max3A_134, %get3A_137, %dot_general3A_138 {dimension_numbers = #tpu.dot_dimension_numbers<[1], [0], [0], [1], [0, 0, 1, 1], [], []>, transpose_lhs_hint = false} : vector<512x128xf32>, vector<128x256xf32>, vector<512x256xf32> -> vector<512x256xf32>
    %get3A_140 = arith.constant 0 : index
    %get3A_141 = arith.constant 0 : index
    %get3A_142 = vector.load %arg20[%get3A_140, %get3A_141] : memref<1x256xf32, #tpu.memory_space<vmem>>, vector<1x256xf32>
    %add3A_143 = vector.broadcast %get3A_142 : vector<1x256xf32> to vector<512x256xf32>
    %add3A_144 = arith.addf %dot_general3A_139, %add3A_143 : vector<512x256xf32>
    %add3A_145 = arith.addf %add3A_118, %add3A_144 : vector<512x256xf32>
    %max3A_146 = arith.constant 0.000000e+00 : f32
    %max3A_147 = vector.broadcast %max3A_146 : f32 to vector<512x256xf32>
    %max3A_148 = arith.maximumf %add3A_145, %max3A_147 : vector<512x256xf32>
    %get3A_149 = arith.constant 0 : index
    %get3A_150 = arith.constant 0 : index
    %get3A_151 = arith.constant 0 : index
    %get3A_152 = vector.load %arg2[%get3A_149, %get3A_150, %get3A_151] : memref<1x1024x256xf32, #tpu.memory_space<vmem>>, vector<1x1024x256xf32>
    %get3A_153 = vector.shape_cast %get3A_152 : vector<1x1024x256xf32> to vector<1024x256xf32>
    %mul3A_154 = arith.mulf %max3A_148, %max3A_148 : vector<512x256xf32>
    %reduce_sum3A_155 = arith.constant dense<0.000000e+00> : vector<512xf32>
    %reduce_sum3A_156 = vector.multi_reduction <add>, %mul3A_154, %reduce_sum3A_155 [1] : vector<512x256xf32> to vector<512xf32>
    %broadcast_in_dim3A_157 = vector.shape_cast %reduce_sum3A_156 : vector<512xf32> to vector<512x1xf32>
    %mul3A_158 = arith.mulf %get3A_153, %get3A_153 : vector<1024x256xf32>
    %reduce_sum3A_159 = arith.constant dense<0.000000e+00> : vector<1024xf32>
    %reduce_sum3A_160 = vector.multi_reduction <add>, %mul3A_158, %reduce_sum3A_159 [1] : vector<1024x256xf32> to vector<1024xf32>
    %broadcast_in_dim3A_161 = vector.shape_cast %reduce_sum3A_160 : vector<1024xf32> to vector<1x1024xf32>
    %dot_general3A_162 = arith.constant dense<0.000000e+00> : vector<512x1024xf32>
    %dot_general3A_163 = tpu.matmul %max3A_148, %get3A_153, %dot_general3A_162 {dimension_numbers = #tpu.dot_dimension_numbers<[1], [1], [0], [0], [0, 0, 1, 0], [], []>, transpose_lhs_hint = false} : vector<512x256xf32>, vector<1024x256xf32>, vector<512x1024xf32> -> vector<512x1024xf32>
    %add3A_164 = vector.broadcast %broadcast_in_dim3A_157 : vector<512x1xf32> to vector<512x1024xf32>
    %add3A_165 = vector.broadcast %broadcast_in_dim3A_161 : vector<1x1024xf32> to vector<512x1024xf32>
    %add3A_166 = arith.addf %add3A_164, %add3A_165 : vector<512x1024xf32>
    %mul3A_167 = arith.constant 2.000000e+00 : f32
    %mul3A_168 = vector.broadcast %mul3A_167 : f32 to vector<512x1024xf32>
    %mul3A_169 = arith.mulf %mul3A_168, %dot_general3A_163 : vector<512x1024xf32>
    %sub3A_170 = arith.subf %add3A_166, %mul3A_169 : vector<512x1024xf32>
    %reduce_min3A = arith.constant dense<0x7F800000> : vector<512xf32>
    %reduce_min3A_171 = vector.multi_reduction <minimumf>, %sub3A_170, %reduce_min3A [1] : vector<512x1024xf32> to vector<512xf32>
    %broadcast_in_dim3A_172 = vector.shape_cast %reduce_min3A_171 : vector<512xf32> to vector<512x1xf32>
    %iota3A = tpu.iota {dimensions = array<i32: 1>} : vector<512x1024xi32>
    %eq3A = vector.broadcast %broadcast_in_dim3A_172 : vector<512x1xf32> to vector<512x1024xf32>
    %eq3A_173 = arith.cmpf oeq, %sub3A_170, %eq3A : vector<512x1024xf32>
    %jit3A = arith.constant 1024 : i32
    %broadcast_in_dim3A_174 = vector.broadcast %jit3A : i32 to vector<512x1024xi32>
    %select_n3A = arith.select %eq3A_173, %iota3A, %broadcast_in_dim3A_174 : vector<512x1024xi1>, vector<512x1024xi32>
    %reduce_min3A_175 = arith.constant dense<2147483647> : vector<512xi32>
    %reduce_min3A_176 = vector.multi_reduction <minsi>, %select_n3A, %reduce_min3A_175 [1] : vector<512x1024xi32> to vector<512xi32>
    %broadcast_in_dim3A_177 = vector.shape_cast %reduce_min3A_176 : vector<512xi32> to vector<512x1xi32>
    %eq3A_178 = vector.broadcast %broadcast_in_dim3A_177 : vector<512x1xi32> to vector<512x1024xi32>
    %eq3A_179 = arith.cmpi eq, %iota3A, %eq3A_178 : vector<512x1024xi32>
    %convert_element_type3A = arith.extui %eq3A_179 : vector<512x1024xi1> to vector<512x1024xi32>
    %convert_element_type3A_180 = arith.sitofp %convert_element_type3A : vector<512x1024xi32> to vector<512x1024xf32>
    %swap3A = arith.constant 0 : index
    %swap3A_181 = arith.constant 0 : index
    %swap3A_182 = vector.load %arg40[%swap3A, %swap3A_181] : memref<512x1024xf32, #tpu.memory_space<vmem>>, vector<512x1024xf32>
    tpu.vector_store %arg40[%swap3A, %swap3A_181], %convert_element_type3A_180 {strides = array<i32>} : memref<512x1024xf32, #tpu.memory_space<vmem>>, vector<512x1024xf32>,
    %dot_general3A_183 = arith.constant dense<0.000000e+00> : vector<512x256xf32>
    %dot_general3A_184 = tpu.matmul %convert_element_type3A_180, %get3A_153, %dot_general3A_183 {dimension_numbers = #tpu.dot_dimension_numbers<[1], [0], [0], [1], [0, 0, 1, 1], [], []>, transpose_lhs_hint = false} : vector<512x1024xf32>, vector<1024x256xf32>, vector<512x256xf32> -> vector<512x256xf32>
    %sub3A_185 = arith.subf %dot_general3A_184, %max3A_148 : vector<512x256xf32>
    %integer_pow3A_186 = arith.mulf %sub3A_185, %sub3A_185 : vector<512x256xf32>
    %reduce_sum3A_187 = vector.shape_cast %integer_pow3A_186 : vector<512x256xf32> to vector<1x512x256xf32>
    %reduce_sum3A_188 = arith.constant dense<0.000000e+00> : vector<1xf32>
    %reduce_sum3A_189 = vector.multi_reduction <add>, %reduce_sum3A_187, %reduce_sum3A_188 [1, 2] : vector<1x512x256xf32> to vector<1xf32>
    %reduce_sum3A_190 = vector.shape_cast %reduce_sum3A_189 : vector<1xf32> to vector<1x1x1xf32>
    %reduce_sum3A_191 = vector.extract %reduce_sum3A_190[0, 0, 0] : f32 from vector<1x1x1xf32>
    %sub3A_192 = arith.subf %dot_general3A_184, %max3A_148 : vector<512x256xf32>
    %add3A_193 = arith.addf %max3A_148, %sub3A_192 : vector<512x256xf32>
    %max3A_194 = arith.constant 0.000000e+00 : f32
    %max3A_195 = vector.broadcast %max3A_194 : f32 to vector<512x256xf32>
    %max3A_196 = arith.maximumf %add3A_193, %max3A_195 : vector<512x256xf32>
    %get3A_197 = arith.constant 0 : index
    %get3A_198 = arith.constant 0 : index
    %get3A_199 = vector.load %arg21[%get3A_197, %get3A_198] : memref<256x128xf32, #tpu.memory_space<vmem>>, vector<256x128xf32>
    %dot_general3A_200 = arith.constant dense<0.000000e+00> : vector<512x128xf32>
    %dot_general3A_201 = tpu.matmul %max3A_196, %get3A_199, %dot_general3A_200 {dimension_numbers = #tpu.dot_dimension_numbers<[1], [0], [0], [1], [0, 0, 1, 1], [], []>, transpose_lhs_hint = false} : vector<512x256xf32>, vector<256x128xf32>, vector<512x128xf32> -> vector<512x128xf32>
    %get3A_202 = arith.constant 0 : index
    %get3A_203 = arith.constant 0 : index
    %get3A_204 = vector.load %arg22[%get3A_202, %get3A_203] : memref<1x128xf32, #tpu.memory_space<vmem>>, vector<1x128xf32>
    %add3A_205 = vector.broadcast %get3A_204 : vector<1x128xf32> to vector<512x128xf32>
    %add3A_206 = arith.addf %dot_general3A_201, %add3A_205 : vector<512x128xf32>
    %max3A_207 = arith.constant 0.000000e+00 : f32
    %max3A_208 = vector.broadcast %max3A_207 : f32 to vector<512x128xf32>
    %max3A_209 = arith.maximumf %add3A_206, %max3A_208 : vector<512x128xf32>
    %get3A_210 = arith.constant 0 : index
    %get3A_211 = arith.constant 0 : index
    %get3A_212 = vector.load %arg23[%get3A_210, %get3A_211] : memref<128x256xf32, #tpu.memory_space<vmem>>, vector<128x256xf32>
    %dot_general3A_213 = arith.constant dense<0.000000e+00> : vector<512x256xf32>
    %dot_general3A_214 = tpu.matmul %max3A_209, %get3A_212, %dot_general3A_213 {dimension_numbers = #tpu.dot_dimension_numbers<[1], [0], [0], [1], [0, 0, 1, 1], [], []>, transpose_lhs_hint = false} : vector<512x128xf32>, vector<128x256xf32>, vector<512x256xf32> -> vector<512x256xf32>
    %get3A_215 = arith.constant 0 : index
    %get3A_216 = arith.constant 0 : index
    %get3A_217 = vector.load %arg24[%get3A_215, %get3A_216] : memref<1x256xf32, #tpu.memory_space<vmem>>, vector<1x256xf32>
    %add3A_218 = vector.broadcast %get3A_217 : vector<1x256xf32> to vector<512x256xf32>
    %add3A_219 = arith.addf %dot_general3A_214, %add3A_218 : vector<512x256xf32>
    %add3A_220 = arith.addf %add3A_193, %add3A_219 : vector<512x256xf32>
    %max3A_221 = arith.constant 0.000000e+00 : f32
    %max3A_222 = vector.broadcast %max3A_221 : f32 to vector<512x256xf32>
    %max3A_223 = arith.maximumf %add3A_220, %max3A_222 : vector<512x256xf32>
    %get3A_224 = arith.constant 0 : index
    %get3A_225 = arith.constant 0 : index
    %get3A_226 = vector.load %arg25[%get3A_224, %get3A_225] : memref<256x128xf32, #tpu.memory_space<vmem>>, vector<256x128xf32>
    %dot_general3A_227 = arith.constant dense<0.000000e+00> : vector<512x128xf32>
    %dot_general3A_228 = tpu.matmul %max3A_223, %get3A_226, %dot_general3A_227 {dimension_numbers = #tpu.dot_dimension_numbers<[1], [0], [0], [1], [0, 0, 1, 1], [], []>, transpose_lhs_hint = false} : vector<512x256xf32>, vector<256x128xf32>, vector<512x128xf32> -> vector<512x128xf32>
    %get3A_229 = arith.constant 0 : index
    %get3A_230 = arith.constant 0 : index
    %get3A_231 = vector.load %arg26[%get3A_229, %get3A_230] : memref<1x128xf32, #tpu.memory_space<vmem>>, vector<1x128xf32>
    %add3A_232 = vector.broadcast %get3A_231 : vector<1x128xf32> to vector<512x128xf32>
    %add3A_233 = arith.addf %dot_general3A_228, %add3A_232 : vector<512x128xf32>
    %max3A_234 = arith.constant 0.000000e+00 : f32
    %max3A_235 = vector.broadcast %max3A_234 : f32 to vector<512x128xf32>
    %max3A_236 = arith.maximumf %add3A_233, %max3A_235 : vector<512x128xf32>
    %get3A_237 = arith.constant 0 : index
    %get3A_238 = arith.constant 0 : index
    %get3A_239 = vector.load %arg27[%get3A_237, %get3A_238] : memref<128x256xf32, #tpu.memory_space<vmem>>, vector<128x256xf32>
    %dot_general3A_240 = arith.constant dense<0.000000e+00> : vector<512x256xf32>
    %dot_general3A_241 = tpu.matmul %max3A_236, %get3A_239, %dot_general3A_240 {dimension_numbers = #tpu.dot_dimension_numbers<[1], [0], [0], [1], [0, 0, 1, 1], [], []>, transpose_lhs_hint = false} : vector<512x128xf32>, vector<128x256xf32>, vector<512x256xf32> -> vector<512x256xf32>
    %get3A_242 = arith.constant 0 : index
    %get3A_243 = arith.constant 0 : index
    %get3A_244 = vector.load %arg28[%get3A_242, %get3A_243] : memref<1x256xf32, #tpu.memory_space<vmem>>, vector<1x256xf32>
    %add3A_245 = vector.broadcast %get3A_244 : vector<1x256xf32> to vector<512x256xf32>
    %add3A_246 = arith.addf %dot_general3A_241, %add3A_245 : vector<512x256xf32>
    %add3A_247 = arith.addf %add3A_220, %add3A_246 : vector<512x256xf32>
    %max3A_248 = arith.constant 0.000000e+00 : f32
    %max3A_249 = vector.broadcast %max3A_248 : f32 to vector<512x256xf32>
    %max3A_250 = arith.maximumf %add3A_247, %max3A_249 : vector<512x256xf32>
    %get3A_251 = arith.constant 0 : index
    %get3A_252 = arith.constant 0 : index
    %get3A_253 = vector.load %arg29[%get3A_251, %get3A_252] : memref<256x128xf32, #tpu.memory_space<vmem>>, vector<256x128xf32>
    %dot_general3A_254 = arith.constant dense<0.000000e+00> : vector<512x128xf32>
    %dot_general3A_255 = tpu.matmul %max3A_250, %get3A_253, %dot_general3A_254 {dimension_numbers = #tpu.dot_dimension_numbers<[1], [0], [0], [1], [0, 0, 1, 1], [], []>, transpose_lhs_hint = false} : vector<512x256xf32>, vector<256x128xf32>, vector<512x128xf32> -> vector<512x128xf32>
    %get3A_256 = arith.constant 0 : index
    %get3A_257 = arith.constant 0 : index
    %get3A_258 = vector.load %arg30[%get3A_256, %get3A_257] : memref<1x128xf32, #tpu.memory_space<vmem>>, vector<1x128xf32>
    %add3A_259 = vector.broadcast %get3A_258 : vector<1x128xf32> to vector<512x128xf32>
    %add3A_260 = arith.addf %dot_general3A_255, %add3A_259 : vector<512x128xf32>
    %get3A_261 = arith.constant 0 : index
    %get3A_262 = arith.constant 0 : index
    %get3A_263 = vector.load %arg31[%get3A_261, %get3A_262] : memref<1x128xf32, #tpu.memory_space<vmem>>, vector<1x128xf32>
    %get3A_264 = arith.constant 0 : index
    %get3A_265 = arith.constant 0 : index
    %get3A_266 = vector.load %arg32[%get3A_264, %get3A_265] : memref<1x128xf32, #tpu.memory_space<vmem>>, vector<1x128xf32>
    %reduce_sum3A_267 = arith.constant dense<0.000000e+00> : vector<512xf32>
    %reduce_sum3A_268 = vector.multi_reduction <add>, %add3A_260, %reduce_sum3A_267 [1] : vector<512x128xf32> to vector<512xf32>
    %broadcast_in_dim3A_269 = vector.shape_cast %reduce_sum3A_268 : vector<512xf32> to vector<512x1xf32>
    %div3A_270 = arith.constant 1.280000e+02 : f32
    %div3A_271 = vector.broadcast %div3A_270 : f32 to vector<512x1xf32>
    %div3A_272 = arith.divf %broadcast_in_dim3A_269, %div3A_271 : vector<512x1xf32>
    %sub3A_273 = vector.broadcast %div3A_272 : vector<512x1xf32> to vector<512x128xf32>
    %sub3A_274 = arith.subf %add3A_260, %sub3A_273 : vector<512x128xf32>
    %integer_pow3A_275 = arith.mulf %sub3A_274, %sub3A_274 : vector<512x128xf32>
    %reduce_sum3A_276 = arith.constant dense<0.000000e+00> : vector<512xf32>
    %reduce_sum3A_277 = vector.multi_reduction <add>, %integer_pow3A_275, %reduce_sum3A_276 [1] : vector<512x128xf32> to vector<512xf32>
    %broadcast_in_dim3A_278 = vector.shape_cast %reduce_sum3A_277 : vector<512xf32> to vector<512x1xf32>
    %div3A_279 = arith.constant 1.280000e+02 : f32
    %div3A_280 = vector.broadcast %div3A_279 : f32 to vector<512x1xf32>
    %div3A_281 = arith.divf %broadcast_in_dim3A_278, %div3A_280 : vector<512x1xf32>
    %sub3A_282 = vector.broadcast %div3A_272 : vector<512x1xf32> to vector<512x128xf32>
    %sub3A_283 = arith.subf %add3A_260, %sub3A_282 : vector<512x128xf32>
    %add3A_284 = arith.constant 9.99999974E-6 : f32
    %add3A_285 = vector.broadcast %add3A_284 : f32 to vector<512x1xf32>
    %add3A_286 = arith.addf %div3A_281, %add3A_285 : vector<512x1xf32>
    %sqrt3A_287 = math.sqrt %add3A_286 : vector<512x1xf32>
    %div3A_288 = vector.broadcast %sqrt3A_287 : vector<512x1xf32> to vector<512x128xf32>
    %div3A_289 = arith.divf %sub3A_283, %div3A_288 : vector<512x128xf32>
    %mul3A_290 = vector.broadcast %get3A_263 : vector<1x128xf32> to vector<512x128xf32>
    %mul3A_291 = arith.mulf %div3A_289, %mul3A_290 : vector<512x128xf32>
    %add3A_292 = vector.broadcast %get3A_266 : vector<1x128xf32> to vector<512x128xf32>
    %add3A_293 = arith.addf %mul3A_291, %add3A_292 : vector<512x128xf32>
    %tanh3A_294 = math.tanh %add3A_293 : vector<512x128xf32>
    %get3A_295 = arith.constant 0 : index
    %get3A_296 = arith.constant 0 : index
    %get3A_297 = vector.load %arg33[%get3A_295, %get3A_296] : memref<128x64xf32, #tpu.memory_space<vmem>>, vector<128x64xf32>
    %dot_general3A_298 = arith.constant dense<0.000000e+00> : vector<512x64xf32>
    %dot_general3A_299 = tpu.matmul %tanh3A_294, %get3A_297, %dot_general3A_298 {dimension_numbers = #tpu.dot_dimension_numbers<[1], [0], [0], [1], [0, 0, 1, 1], [], []>, transpose_lhs_hint = false} : vector<512x128xf32>, vector<128x64xf32>, vector<512x64xf32> -> vector<512x64xf32>
    %get3A_300 = arith.constant 0 : index
    %get3A_301 = arith.constant 0 : index
    %get3A_302 = vector.load %arg34[%get3A_300, %get3A_301] : memref<1x64xf32, #tpu.memory_space<vmem>>, vector<1x64xf32>
    %add3A_303 = vector.broadcast %get3A_302 : vector<1x64xf32> to vector<512x64xf32>
    %add3A_304 = arith.addf %dot_general3A_299, %add3A_303 : vector<512x64xf32>
    %get3A_305 = arith.constant 0 : index
    %get3A_306 = arith.constant 0 : index
    %get3A_307 = vector.load %arg35[%get3A_305, %get3A_306] : memref<1x64xf32, #tpu.memory_space<vmem>>, vector<1x64xf32>
    %get3A_308 = arith.constant 0 : index
    %get3A_309 = arith.constant 0 : index
    %get3A_310 = vector.load %arg36[%get3A_308, %get3A_309] : memref<1x64xf32, #tpu.memory_space<vmem>>, vector<1x64xf32>
    %reduce_sum3A_311 = arith.constant dense<0.000000e+00> : vector<512xf32>
    %reduce_sum3A_312 = vector.multi_reduction <add>, %add3A_304, %reduce_sum3A_311 [1] : vector<512x64xf32> to vector<512xf32>
    %broadcast_in_dim3A_313 = vector.shape_cast %reduce_sum3A_312 : vector<512xf32> to vector<512x1xf32>
    %div3A_314 = arith.constant 6.400000e+01 : f32
    %div3A_315 = vector.broadcast %div3A_314 : f32 to vector<512x1xf32>
    %div3A_316 = arith.divf %broadcast_in_dim3A_313, %div3A_315 : vector<512x1xf32>
    %sub3A_317 = vector.broadcast %div3A_316 : vector<512x1xf32> to vector<512x64xf32>
    %sub3A_318 = arith.subf %add3A_304, %sub3A_317 : vector<512x64xf32>
    %integer_pow3A_319 = arith.mulf %sub3A_318, %sub3A_318 : vector<512x64xf32>
    %reduce_sum3A_320 = arith.constant dense<0.000000e+00> : vector<512xf32>
    %reduce_sum3A_321 = vector.multi_reduction <add>, %integer_pow3A_319, %reduce_sum3A_320 [1] : vector<512x64xf32> to vector<512xf32>
    %broadcast_in_dim3A_322 = vector.shape_cast %reduce_sum3A_321 : vector<512xf32> to vector<512x1xf32>
    %div3A_323 = arith.constant 6.400000e+01 : f32
    %div3A_324 = vector.broadcast %div3A_323 : f32 to vector<512x1xf32>
    %div3A_325 = arith.divf %broadcast_in_dim3A_322, %div3A_324 : vector<512x1xf32>
    %sub3A_326 = vector.broadcast %div3A_316 : vector<512x1xf32> to vector<512x64xf32>
    %sub3A_327 = arith.subf %add3A_304, %sub3A_326 : vector<512x64xf32>
    %add3A_328 = arith.constant 9.99999974E-6 : f32
    %add3A_329 = vector.broadcast %add3A_328 : f32 to vector<512x1xf32>
    %add3A_330 = arith.addf %div3A_325, %add3A_329 : vector<512x1xf32>
    %sqrt3A_331 = math.sqrt %add3A_330 : vector<512x1xf32>
    %div3A_332 = vector.broadcast %sqrt3A_331 : vector<512x1xf32> to vector<512x64xf32>
    %div3A_333 = arith.divf %sub3A_327, %div3A_332 : vector<512x64xf32>
    %mul3A_334 = vector.broadcast %get3A_307 : vector<1x64xf32> to vector<512x64xf32>
    %mul3A_335 = arith.mulf %div3A_333, %mul3A_334 : vector<512x64xf32>
    %add3A_336 = vector.broadcast %get3A_310 : vector<1x64xf32> to vector<512x64xf32>
    %add3A_337 = arith.addf %mul3A_335, %add3A_336 : vector<512x64xf32>
    %tanh3A_338 = math.tanh %add3A_337 : vector<512x64xf32>
    %get3A_339 = arith.constant 0 : index
    %get3A_340 = arith.constant 0 : index
    %get3A_341 = vector.load %arg37[%get3A_339, %get3A_340] : memref<64x1xf32, #tpu.memory_space<vmem>>, vector<64x1xf32>
    %dot_general3A_342 = arith.constant dense<0.000000e+00> : vector<1x512xf32>
    %dot_general3A_343 = tpu.matmul %get3A_341, %tanh3A_338, %dot_general3A_342 {dimension_numbers = #tpu.dot_dimension_numbers<[0], [1], [1], [0], [0, 1, 1, 0], [], []>, transpose_lhs_hint = false} : vector<64x1xf32>, vector<512x64xf32>, vector<1x512xf32> -> vector<1x512xf32>
    %get3A_344 = arith.constant 0 : index
    %get3A_345 = arith.constant 0 : index
    %get3A_346 = vector.load %arg38[%get3A_344, %get3A_345] : memref<1x1xf32, #tpu.memory_space<vmem>>, vector<1x1xf32>
    %add3A_347 = vector.broadcast %get3A_346 : vector<1x1xf32> to vector<1x512xf32>
    %add3A_348 = arith.addf %dot_general3A_343, %add3A_347 : vector<1x512xf32>
    %swap3A_349 = arith.constant 0 : index
    %swap3A_350 = arith.constant 0 : index
    %swap3A_351 = arith.constant 0 : index
    %swap3A_352 = vector.load %arg39[%swap3A_349, %swap3A_350, %swap3A_351] : memref<1x1x512xf32, #tpu.memory_space<vmem>>, vector<1x1x512xf32>
    %swap3A_353 = vector.shape_cast %swap3A_352 : vector<1x1x512xf32> to vector<1x512xf32>
    %swap3A_354 = vector.shape_cast %add3A_348 : vector<1x512xf32> to vector<1x1x512xf32>
    tpu.vector_store %arg39[%swap3A_349, %swap3A_350, %swap3A_351], %swap3A_354 {strides = array<i32>} : memref<1x1x512xf32, #tpu.memory_space<vmem>>, vector<1x1x512xf32>,
    %sub3A_355 = arith.subf %add3A_348, %get3A_3 : vector<1x512xf32>
    %integer_pow3A_356 = arith.mulf %sub3A_355, %sub3A_355 : vector<1x512xf32>
    %reduce_sum3A_357 = vector.shape_cast %integer_pow3A_356 : vector<1x512xf32> to vector<1x1x512xf32>
    %reduce_sum3A_358 = arith.constant dense<0.000000e+00> : vector<1xf32>
    %reduce_sum3A_359 = vector.multi_reduction <add>, %reduce_sum3A_357, %reduce_sum3A_358 [1, 2] : vector<1x1x512xf32> to vector<1xf32>
    %reduce_sum3A_360 = vector.shape_cast %reduce_sum3A_359 : vector<1xf32> to vector<1x1x1xf32>
    %reduce_sum3A_361 = vector.extract %reduce_sum3A_360[0, 0, 0] : f32 from vector<1x1x1xf32>
    %div3A_362 = arith.constant 0x4B000000 : f32
    %div3A_363 = arith.divf %reduce_sum3A_191, %div3A_362 : f32
    %div3A_364 = arith.constant 3.276800e+04 : f32
    %div3A_365 = arith.divf %reduce_sum3A_361, %div3A_364 : f32
    %add3A_366 = arith.addf %div3A_363, %div3A_365 : f32
    %eq3A_367 = arith.constant 0 : i32
    %eq3A_368 = arith.cmpi eq, %arg0, %eq3A_367 : i32
    %convert_element_type3A_369 = arith.extui %eq3A_368 : i1 to i32
    %cond3A = arith.constant 0 : i32
    %cond3A_370 = arith.cmpi ne, %convert_element_type3A_369, %cond3A : i32
    scf.if %cond3A_370 {
      %broadcast_in_dim3A_378 = arith.constant 0.000000e+00 : f32
      %broadcast_in_dim3A_379 = vector.broadcast %broadcast_in_dim3A_378 : f32 to vector<1x1xf32>
      %swap3A_380 = arith.constant 0 : index
      %swap3A_381 = arith.constant 0 : index
      %swap3A_382 = vector.load %arg41[%swap3A_380, %swap3A_381] : memref<1x1xf32, #tpu.memory_space<vmem>>, vector<1x1xf32>
      tpu.vector_store %arg41[%swap3A_380, %swap3A_381], %broadcast_in_dim3A_379 {strides = array<i32>} : memref<1x1xf32, #tpu.memory_space<vmem>>, vector<1x1xf32>,
    } else {
    }
    %get3A_371 = arith.constant 0 : index
    %get3A_372 = arith.constant 0 : index
    %get3A_373 = vector.load %arg41[%get3A_371, %get3A_372] : memref<1x1xf32, #tpu.memory_space<vmem>>, vector<1x1xf32>
    %reshape3A = vector.broadcast %add3A_366 : f32 to vector<1x1xf32>
    %add3A_374 = arith.addf %get3A_373, %reshape3A : vector<1x1xf32>
    %swap3A_375 = arith.constant 0 : index
    %swap3A_376 = arith.constant 0 : index
    %swap3A_377 = vector.load %arg41[%swap3A_375, %swap3A_376] : memref<1x1xf32, #tpu.memory_space<vmem>>, vector<1x1xf32>
    tpu.vector_store %arg41[%swap3A_375, %swap3A_376], %add3A_374 {strides = array<i32>} : memref<1x1xf32, #tpu.memory_space<vmem>>, vector<1x1xf32>,
    return
  }
  func.func @transform_0(%arg0: i32) -> (i32, i32, i32) {
    %c0_i32 = arith.constant 0 : i32
    %c0_i32_0 = arith.constant 0 : i32
    %c0_i32_1 = arith.constant 0 : i32
    return %arg0, %c0_i32, %c0_i32_0 : i32, i32, i32
  }
  func.func @transform_1(%arg0: i32) -> (i32, i32, i32) {
    %c0_i32 = arith.constant 0 : i32
    %c0_i32_0 = arith.constant 0 : i32
    %c0_i32_1 = arith.constant 0 : i32
    return %arg0, %c0_i32, %c0_i32_0 : i32, i32, i32
  }
  func.func @transform_2(%arg0: i32) -> (i32, i32) {
    %c0_i32 = arith.constant 0 : i32
    %c0_i32_0 = arith.constant 0 : i32
    %c0_i32_1 = arith.constant 0 : i32
    return %c0_i32, %c0_i32_0 : i32, i32
  }
  func.func @transform_3(%arg0: i32) -> (i32, i32) {
    %c0_i32 = arith.constant 0 : i32
    %c0_i32_0 = arith.constant 0 : i32
    %c0_i32_1 = arith.constant 0 : i32
    return %c0_i32, %c0_i32_0 : i32, i32
  }
  func.func @transform_4(%arg0: i32) -> (i32, i32) {
    %c0_i32 = arith.constant 0 : i32
    %c0_i32_0 = arith.constant 0 : i32
    %c0_i32_1 = arith.constant 0 : i32
    return %c0_i32, %c0_i32_0 : i32, i32
  }
  func.func @transform_5(%arg0: i32) -> (i32, i32) {
    %c0_i32 = arith.constant 0 : i32
    %c0_i32_0 = arith.constant 0 : i32
    %c0_i32_1 = arith.constant 0 : i32
    return %c0_i32, %c0_i32_0 : i32, i32
  }
  func.func @transform_6(%arg0: i32) -> (i32, i32) {
    %c0_i32 = arith.constant 0 : i32
    %c0_i32_0 = arith.constant 0 : i32
    %c0_i32_1 = arith.constant 0 : i32
    return %c0_i32, %c0_i32_0 : i32, i32
  }
  func.func @transform_7(%arg0: i32) -> (i32, i32) {
    %c0_i32 = arith.constant 0 : i32
    %c0_i32_0 = arith.constant 0 : i32
    %c0_i32_1 = arith.constant 0 : i32
    return %c0_i32, %c0_i32_0 : i32, i32
  }
  func.func @transform_8(%arg0: i32) -> (i32, i32) {
    %c0_i32 = arith.constant 0 : i32
    %c0_i32_0 = arith.constant 0 : i32
    %c0_i32_1 = arith.constant 0 : i32
    return %c0_i32, %c0_i32_0 : i32, i32
  }
  func.func @transform_9(%arg0: i32) -> (i32, i32) {
    %c0_i32 = arith.constant 0 : i32
    %c0_i32_0 = arith.constant 0 : i32
    %c0_i32_1 = arith.constant 0 : i32
    return %c0_i32, %c0_i32_0 : i32, i32
  }
  func.func @transform_10(%arg0: i32) -> (i32, i32) {
    %c0_i32 = arith.constant 0 : i32
    %c0_i32_0 = arith.constant 0 : i32
    %c0_i32_1 = arith.constant 0 : i32
    return %c0_i32, %c0_i32_0 : i32, i32
  }
  func.func @transform_11(%arg0: i32) -> (i32, i32) {
    %c0_i32 = arith.constant 0 : i32
    %c0_i32_0 = arith.constant 0 : i32
    %c0_i32_1 = arith.constant 0 : i32
    return %c0_i32, %c0_i32_0 : i32, i32
  }
  func.func @transform_12(%arg0: i32) -> (i32, i32) {
    %c0_i32 = arith.constant 0 : i32
    %c0_i32_0 = arith.constant 0 : i32
    %c0_i32_1 = arith.constant 0 : i32
    return %c0_i32, %c0_i32_0 : i32, i32
  }
  func.func @transform_13(%arg0: i32) -> (i32, i32) {
    %c0_i32 = arith.constant 0 : i32
    %c0_i32_0 = arith.constant 0 : i32
    %c0_i32_1 = arith.constant 0 : i32
    return %c0_i32, %c0_i32_0 : i32, i32
  }
  func.func @transform_14(%arg0: i32) -> (i32, i32) {
    %c0_i32 = arith.constant 0 : i32
    %c0_i32_0 = arith.constant 0 : i32
    %c0_i32_1 = arith.constant 0 : i32
    return %c0_i32, %c0_i32_0 : i32, i32
  }
  func.func @transform_15(%arg0: i32) -> (i32, i32) {
    %c0_i32 = arith.constant 0 : i32
    %c0_i32_0 = arith.constant 0 : i32
    %c0_i32_1 = arith.constant 0 : i32
    return %c0_i32, %c0_i32_0 : i32, i32
  }
  func.func @transform_16(%arg0: i32) -> (i32, i32) {
    %c0_i32 = arith.constant 0 : i32
    %c0_i32_0 = arith.constant 0 : i32
    %c0_i32_1 = arith.constant 0 : i32
    return %c0_i32, %c0_i32_0 : i32, i32
  }
  func.func @transform_17(%arg0: i32) -> (i32, i32) {
    %c0_i32 = arith.constant 0 : i32
    %c0_i32_0 = arith.constant 0 : i32
    %c0_i32_1 = arith.constant 0 : i32
    return %c0_i32, %c0_i32_0 : i32, i32
  }
  func.func @transform_18(%arg0: i32) -> (i32, i32) {
    %c0_i32 = arith.constant 0 : i32
    %c0_i32_0 = arith.constant 0 : i32
    %c0_i32_1 = arith.constant 0 : i32
    return %c0_i32, %c0_i32_0 : i32, i32
  }
  func.func @transform_19(%arg0: i32) -> (i32, i32) {
    %c0_i32 = arith.constant 0 : i32
    %c0_i32_0 = arith.constant 0 : i32
    %c0_i32_1 = arith.constant 0 : i32
    return %c0_i32, %c0_i32_0 : i32, i32
  }
  func.func @transform_20(%arg0: i32) -> (i32, i32) {
    %c0_i32 = arith.constant 0 : i32
    %c0_i32_0 = arith.constant 0 : i32
    %c0_i32_1 = arith.constant 0 : i32
    return %c0_i32, %c0_i32_0 : i32, i32
  }
  func.func @transform_21(%arg0: i32) -> (i32, i32) {
    %c0_i32 = arith.constant 0 : i32
    %c0_i32_0 = arith.constant 0 : i32
    %c0_i32_1 = arith.constant 0 : i32
    return %c0_i32, %c0_i32_0 : i32, i32
  }
  func.func @transform_22(%arg0: i32) -> (i32, i32) {
    %c0_i32 = arith.constant 0 : i32
    %c0_i32_0 = arith.constant 0 : i32
    %c0_i32_1 = arith.constant 0 : i32
    return %c0_i32, %c0_i32_0 : i32, i32
  }
  func.func @transform_23(%arg0: i32) -> (i32, i32) {
    %c0_i32 = arith.constant 0 : i32
    %c0_i32_0 = arith.constant 0 : i32
    %c0_i32_1 = arith.constant 0 : i32
    return %c0_i32, %c0_i32_0 : i32, i32
  }
  func.func @transform_24(%arg0: i32) -> (i32, i32) {
    %c0_i32 = arith.constant 0 : i32
    %c0_i32_0 = arith.constant 0 : i32
    %c0_i32_1 = arith.constant 0 : i32
    return %c0_i32, %c0_i32_0 : i32, i32
  }
  func.func @transform_25(%arg0: i32) -> (i32, i32) {
    %c0_i32 = arith.constant 0 : i32
    %c0_i32_0 = arith.constant 0 : i32
    %c0_i32_1 = arith.constant 0 : i32
    return %c0_i32, %c0_i32_0 : i32, i32
  }
  func.func @transform_26(%arg0: i32) -> (i32, i32) {
    %c0_i32 = arith.constant 0 : i32
    %c0_i32_0 = arith.constant 0 : i32
    %c0_i32_1 = arith.constant 0 : i32
    return %c0_i32, %c0_i32_0 : i32, i32
  }
  func.func @transform_27(%arg0: i32) -> (i32, i32) {
    %c0_i32 = arith.constant 0 : i32
    %c0_i32_0 = arith.constant 0 : i32
    %c0_i32_1 = arith.constant 0 : i32
    return %c0_i32, %c0_i32_0 : i32, i32
  }
  func.func @transform_28(%arg0: i32) -> (i32, i32) {
    %c0_i32 = arith.constant 0 : i32
    %c0_i32_0 = arith.constant 0 : i32
    %c0_i32_1 = arith.constant 0 : i32
    return %c0_i32, %c0_i32_0 : i32, i32
  }
  func.func @transform_29(%arg0: i32) -> (i32, i32) {
    %c0_i32 = arith.constant 0 : i32
    %c0_i32_0 = arith.constant 0 : i32
    %c0_i32_1 = arith.constant 0 : i32
    return %c0_i32, %c0_i32_0 : i32, i32
  }
  func.func @transform_30(%arg0: i32) -> (i32, i32) {
    %c0_i32 = arith.constant 0 : i32
    %c0_i32_0 = arith.constant 0 : i32
    %c0_i32_1 = arith.constant 0 : i32
    return %c0_i32, %c0_i32_0 : i32, i32
  }
  func.func @transform_31(%arg0: i32) -> (i32, i32) {
    %c0_i32 = arith.constant 0 : i32
    %c0_i32_0 = arith.constant 0 : i32
    %c0_i32_1 = arith.constant 0 : i32
    return %c0_i32, %c0_i32_0 : i32, i32
  }
  func.func @transform_32(%arg0: i32) -> (i32, i32) {
    %c0_i32 = arith.constant 0 : i32
    %c0_i32_0 = arith.constant 0 : i32
    %c0_i32_1 = arith.constant 0 : i32
    return %c0_i32, %c0_i32_0 : i32, i32
  }
  func.func @transform_33(%arg0: i32) -> (i32, i32) {
    %c0_i32 = arith.constant 0 : i32
    %c0_i32_0 = arith.constant 0 : i32
    %c0_i32_1 = arith.constant 0 : i32
    return %c0_i32, %c0_i32_0 : i32, i32
  }
  func.func @transform_34(%arg0: i32) -> (i32, i32) {
    %c0_i32 = arith.constant 0 : i32
    %c0_i32_0 = arith.constant 0 : i32
    %c0_i32_1 = arith.constant 0 : i32
    return %c0_i32, %c0_i32_0 : i32, i32
  }
  func.func @transform_35(%arg0: i32) -> (i32, i32) {
    %c0_i32 = arith.constant 0 : i32
    %c0_i32_0 = arith.constant 0 : i32
    %c0_i32_1 = arith.constant 0 : i32
    return %c0_i32, %c0_i32_0 : i32, i32
  }
  func.func @transform_36(%arg0: i32) -> (i32, i32) {
    %c0_i32 = arith.constant 0 : i32
    %c0_i32_0 = arith.constant 0 : i32
    %c0_i32_1 = arith.constant 0 : i32
    return %c0_i32, %c0_i32_0 : i32, i32
  }
  func.func @transform_37(%arg0: i32) -> (i32, i32) {
    %c0_i32 = arith.constant 0 : i32
    %c0_i32_0 = arith.constant 0 : i32
    %c0_i32_1 = arith.constant 0 : i32
    return %c0_i32, %c0_i32_0 : i32, i32
  }
  func.func @transform_38(%arg0: i32) -> (i32, i32, i32) {
    %c0_i32 = arith.constant 0 : i32
    %c0_i32_0 = arith.constant 0 : i32
    %c0_i32_1 = arith.constant 0 : i32
    return %arg0, %c0_i32, %c0_i32_0 : i32, i32, i32
  }
  func.func @transform_39(%arg0: i32) -> (i32, i32) {
    %c0_i32 = arith.constant 0 : i32
    %c0_i32_0 = arith.constant 0 : i32
    return %c0_i32, %arg0 : i32, i32
  }
  func.func @transform_40(%arg0: i32) -> (i32, i32) {
    %c0_i32 = arith.constant 0 : i32
    %c0_i32_0 = arith.constant 0 : i32
    %c0_i32_1 = arith.constant 0 : i32
    return %c0_i32, %c0_i32_0 : i32, i32
  }
}

</mosaic_0001>

<sc_bundles>
// kernel: sparse-core-data-format-call.cloned.1.call-start
scs
called_computation_lowered:
.L_overlay_start_0:
0x0: {  	s2 =	sld [smem:$0x3FD9]  }
0x1: {  	s3 =	sld [smem:$0x3FFE];
	_ =	sdelay $0x1  }
0x2: {  	s1 =	srdreg.scid  }
0x3: {  	s0 =	sand.u32 $0x1, s1  }
0x4: {  	s15 =	sshll.u32 s0, $0xA;
	s2 =	sadd.s32 s3, s2  }
0x5: {  	s2 =	sadd.s32 s2, s15  }
0x6: {  	[smem:$0x3FA2] =	sst s2  }
0x7: {  	_ = 	snop  }
0x8: {  	s2 =	sld [smem:$0x3FD0];
	_ =	sdelay $0x2  }
0x9: {  	s16 =	simm.s32 $0xA;
	s4 =	simm.s32 $0x10  }
0xa: {  	[smem:s4], [sflag:s16] =	dma.local [hbm:s2], $0x1  }
0xb: {  	_ =	swait.eq [sflag:s16], $0x1  }
0xc: {  	[sflag:s16] =	ssyncset.done $0x0  }
0xd: {  	[sflag:s16] =	ssyncadd.s32 $0xFFFFFFFF  }
0xe: {  	s17 =	sld [smem:$0x12];
	(tm) =	ssettm $0x1  }
0xf: {  	s18 =	sld [smem:$0x3FFB];
	_ =	sdelay $0x3  }
0x10: {  	_ =	strace s18  }
0x11: {  	s3 =	sld [smem:$0x3FFC];
	_ =	sdelay $0x3  }
0x12: {  	_ =	strace s3  }
0x13: {  	s3 =	sld [smem:$0x3FFD];
	_ =	sdelay $0x3  }
0x14: {  	_ =	strace s3  }
0x15: {  	_ =	strace $0x8FFFFFFF  }
0x16: {  	s19 =	sld [smem:$0x3FDB];
	_ =	sdelay $0x1  }
0x17: {  	s20 =	simm.s32 $_scs_section_size  }
0x18: {  	s5 =	simm.s32 $_size__tile_overlayer_lowered;
	s6 =	simm.s32 $_tile_overlayer_lowered  }
0x19: {  	s23 =	simm.s32 $0x1BFF;
	s22 =	sshll.u32 s6, $0x1;
	s3 =	sadd.s32 s20, s19  }
0x1a: {  	s7 =	simm.s32 $0x0;
	s21 =	sshll.u32 s5, $0x1;
	s5 =	sadd.s32 s22, s3  }
0x1b: {  	[timem:s7], [sflag:s23] =	dma.local [hbm:s5], s21  }
0x1c: {  	_ =	swait.ge [sflag:s23], s21  }
0x1d: {  	s4 =	ssub.s32 $0x0, s21;
	[sflag:s23] =	ssyncset.done $0x0  }
0x1e: {  	[sflag:s23] =	ssyncadd.s32 s4;
	_ =	sdelay $0x1  }
0x1f: {  	s24 =	simm.s32 $0x1B8B  }
0x20: {  	_ =	swait.ge [sflag:s24], $0x1  }
0x21: {  	[sflag:s24] =	ssyncset.done $0x0  }
0x22: {  	s26 =	simm.s32 $0x1B8E;
	s25 =	sld [smem:$0x3FFE];
	[sflag:s24] =	ssyncadd.s32 $0xFFFFFFFF  }
0x23: {  	s27 =	simm.s32 $execute0_lowered;
	[smem:$0x3FD2] =	sst s26  }
0x24: {  	s5 =	sshll.u32 s27, $0x1;
	_ =	strace $0x80000046;
	[dreg:$0x1] =	wrdreg $0xFFFFFFFF  }
0x25: {  	s28 =	simm.s32 $_size_execute0_lowered;
	s3 =	sadd.s32 s3, s5;
	[dreg:$0x0] =	wrdreg $0x0  }
0x26: {  	s5 =	sshll.u32 s28, $0x1;
	[dreg:$0x2] =	wrdreg s3  }
0x27: {  	[dreg:$0x3] =	wrdreg s5  }
0x28: {  	[dreg:$0x4] =	wrdreg $0xC0  }
0x29: {  	_ =	task [dreg:s7], $0x5FFFF  }
0x2a: {  	[dreg:$0x1] =	wrdreg $0xFFFFFFFF  }
0x2b: {  	[dreg:$0x0] =	wrdreg $0x60  }
0x2c: {  	[dreg:$0x2] =	wrdreg s25  }
0x2d: {  	[dreg:$0x3] =	wrdreg s17  }
0x2e: {  	[dreg:$0x4] =	wrdreg $0x9  }
0x2f: {  	_ =	task.clear_ibuf [dreg:s7], $0x5FFFF;
	_ =	strace $0x90000046  }
0x30: {  	s29 =	simm.s32 $0x9;
	_ =	strace $0x80000048  }
0x31: {  	_ =	swait.ge [sflag:s29], $0x1  }
0x32: {  	[sflag:s29] =	ssyncadd.s32 $0xFFFFFFFF  }
0x33: {  	_ =	strace $0x90000048  }
0x34: {  	_ =	sfence  }
0x35: {  	s30 =	sld [smem:$0x0];
	_ =	sdelay $0x2  }
0x36: {  	s31 =	sshll.u32 s1, $0xD;
	s1 =	sshrl.u32 s1, $0x2  }
0x37: {  	s3 =	sand.u32 $0x4000, s31;
	s1 =	sadd.s32 s1, s30  }
0x38: {  	s0 =	sor.u32 s3, s0;
	s1 =	sshll.u32 s1, $0x11  }
0x39: {  	s0 =	sor.u32 s1, s0  }
0x3a: {  	s0 =	sadd.s32 $0x8F2B, s0  }
0x3b: {  	[sflag:s0] =	ssyncadd.remote.s32 $0x1  }
0x3c: {  	_ =	sfence.sel $0xFFFF  }
0x3d: {  	[dreg:$0x0] =	wrdreg $0xFFFFFFFF;
	(pc) =	sbr.abs _section_cstart, $3  }
0x3e: {  	[dreg:$0x1] =	wrdreg $0xFFFFFFFF  }
0x3f: {  	_ =	task.clear_ibuf [dreg:s7], $0x2FFFF;
	_ =	strace $0x9FFFFFFF  }
0x40: {  	(tm) =	ssettm $0x7FFFFFFF  }
0x41: {  	_ =	shalt  }
tec
execute0_lowered:
.L_overlay_start_1:
0x0: {  	(tag) =	ssettag $0x1  }
0x1: {  	s1 =	rddreg [dreg:$0x0]  }
0x2: {  	s2 =	rddreg [dreg:$0x1]  }
0x3: {  	s0 =	rddreg [dreg:$0x2]  }
0x4: {  	_ =	strace $0x80000047;
	s4 =	srdreg.scid;
	s6 =	simm.s32 $0x2  }
0x5: {  	s12 =	simm.s32 $0x0;
	p0 =	por $0x0, $0x0;
	s13 =	simm.s32 $0x0  }
0x6: {  	s15 =	simm.s32 $0x0;
	s14 =	simm.s32 $0x0;
	s8 =	simm.s32 $0x0  }
.Ltmp0:
0x7: {  	s9 =	simm.s32 $0x0;
	s10 =	simm.s32 $0x0;
	(pc) =	sbr.rel .LBB1_1-.Ltmp0, $4  }
0x8: {  	s7 =	simm.s32 $0x0;
	s3 =	sadd.s32 $0x4A00, s1;
	s5 =	sshll.u32 s4, $0x4  }
0x9: {  	s1 =	stileid.u32;
	s4 =	simm.s32 $0x1;
	s5 =	sand.u32 $0x10, s5  }
0xa: {  	s21 =	simm.s32 $0x0;
	[sflag:s4] =	ssyncpa.u1 $0x0;
	s5 =	sor.u32 s1, s5  }
0xb: {  	[sflag:s6] =	ssyncpa.u1 $0x0;
	s6 =	simm.s32 $0x10000;
	s11 =	smov.u32 s5  }
.LBB1_7:
0xc: {  	s16 =	sadd.s32 $0x100, s8  }
0xd: {  	s12 =	sadd.s32 $0x8, s9;
	s17 =	smov.u32 s9;
	p2 =	sgt.s32 s16, $0x3FF  }
0xe: {  	s17 =	smov.u32 @p2 s12  }
0xf: {  	s18 =	smov.u32 s10;
	s12 =	sadd.s32 $0x8, s10;
	p3 =	sgt.s32 s17, $0x7  }
0x10: {  	s18 =	smov.u32 @p3 s12  }
0x11: {  	s19 =	smov.u32 s11;
	s12 =	sadd.s32 $0x20, s11;
	p4 =	sgt.s32 s18, $0x3F  }
0x12: {  	p1 =	slt.u32 s7, $0x2;
	s19 =	smov.u32 @p4 s12  }
0x13: {  	s7 =	sadd.s32 $0x1, s7;
	s16 =	simm.s32 @p2 $0x0;
	p2 =	sgt.s32 s19, $0x3F  }
0x14: {  	s20 =	simm.s32 @!p1 $0x2;
	s19 =	smov.u32 @p2 s5;
	p2 =	sne.s32 s7, $0x42  }
.Ltmp1:
0x15: {  	s13 =	smov.u32 s9;
	_ =	swait.ge @!p1 [sflag:s20], $0x4000;
	(pc) =	sbr.rel @!p2 .LBB1_8-.Ltmp1, $4  }
0x16: {  	s15 =	smov.u32 s10;
	s14 =	smov.u32 s11;
	[sflag:s20] =	ssyncset.done @!p1 $0x0  }
0x17: {  	p0 =	por !p0, !p0;
	s17 =	simm.s32 @p3 $0x0;
	[sflag:s20] =	ssyncadd.s32 @!p1 $0xFFFFC000  }
0x18: {  	s9 =	smov.u32 s17;
	s18 =	simm.s32 @p4 $0x0;
	s12 =	smov.u32 s8  }
0x19: {  	s8 =	smov.u32 s16;
	s10 =	smov.u32 s18;
	s11 =	smov.u32 s19  }
.LBB1_1:
0x1a: {  	p1 =	sgt.u32 s7, $0x3F  }
0x1b: {  	s16 =	sxor.u32 @!p1 $0xFFFFFFFF, s7  }
0x1c: {  	s17 =	sshll.u32 @!p1 s9, $0x7;
	s18 =	sand.u32 @!p1 $0x78, s8;
	s19 =	sshll.u32 @!p1 s11, $0x10  }
0x1d: {  	s20 =	sand.u32 @!p1 $0x380, s8;
	s16 =	sshll.u32 @!p1 s16, $0xE;
	s17 =	sand.u32 @!p1 $0x380, s17  }
0x1e: {  	s19 =	sadd.s32 @!p1 s3, s19;
	s17 =	sor.u32 @!p1 s18, s17;
	s18 =	sshll.u32 @!p1 s10, $0xA  }
0x1f: {  	s16 =	sand.u32 @!p1 $0x4000, s16;
	s18 =	sadd.s32 @!p1 s18, s19;
	s19 =	sand.u32 @!p1 $0x7, s8  }
0x20: {  	s17 =	sshrl.u32 @!p1 s17, $0x3;
	s18 =	sadd.s32 @!p1 s20, s18;
	s19 =	sshll.u32 @!p1 s19, $0x12  }
0x21: {  	s17 =	sadd.s32 @!p1 s17, s18;
	s18 =	sor.u32 @!p1 $0x800, s19;
	s19 =	simm.s32 @!p1 $0x2000  }
0x22: {  	[tilespmem:s16], [sflag:$0x1] =	stream.strided.gather @!p1 [hbm4b:s17+s18], $0x4000, s19, s18, $0x38;
	[tilespmem:$0x10000] =	vst v63  }
0x23: {  	p1 =	seq.s32 s7, $0x0  }
0x24: {  	p2 =	seq.s32 @!p1 s7, $0x41  }
0x25: {  	p1 =	por p1, p2  }
.Ltmp2:
0x26: {  	_ = 	snop;
	(pc) =	sbr.rel @p1 .LBB1_7-.Ltmp2, $1  }
0x27: {  	_ =	sdelay $0x3  }
0x28: {  	s16 =	simm.s32 $0x1  }
0x29: {  	_ =	swait.ge [sflag:s4], $0x4000;
	s31 =	sshll.u32 s7, $0xE;
	p1 =	por $0x0, $0x0  }
0x2a: {  	s22 =	simm.s32 $0x0;
	s23 =	simm.s32 $0x0;
	s16 =	simm.s32 @!p0 $0x0  }
0x2b: {  	[sflag:s4] =	ssyncset.done $0x0;
	s19 =	sand.u32 $0x4000, s31;
	s16 =	sshll.u32 s16, $0x10  }
0x2c: {  	[sflag:s4] =	ssyncadd.s32 $0xFFFFC000;
	s20 =	sshrl.u32 s16, $0x2;
	s16 =	sor.u32 $0x8000, s19  }
0x2d: {  	s17 =	sor.u32 $0x40, s20;
	s18 =	sor.u32 $0x8410, s20;
	s20 =	sadd.s32 $0x8400, s20  }
.LBB1_3:
0x2e: {  	v1 =	vld [tilespmem:s17+$0xFFFFFFD0]  }
0x2f: {  	v2 =	vld [tilespmem:s17+$0x430]  }
0x30: {  	s24 =	sshll.u32 s23, $0xB;
	v4 =	vld [tilespmem:s17+$0xFFFFFFE0]  }
0x31: {  	v7 =	vld [tilespmem:s17+$0xFFFFFFF0];
	v0 =	vmov s24  }
0x32: {  	v8 =	vld [tilespmem:s17+$0x0]  }
0x33: {  	s30 =	sand.u32 $0x300, s21;
	v9 =	vld [tilespmem:s17+$0x10]  }
0x34: {  	s25 =	sand.u32 $0x80, s21;
	v10 =	vld [tilespmem:s17+$0x20];
	s24 =	sadd.s32 s30, s19  }
0x35: {  	v11 =	vld [tilespmem:s17+$0x30];
	s24 =	sadd.s32 s25, s24;
	s25 =	simm.s32 $0x1;
	[tilespmem:s18+$0x60] =	vst v2  }
0x36: {  	s31 =	sshll.u32 s22, $0x2;
	s25 =	simm.s32 @!p1 $0x0;
	[tilespmem:s18+$0xFFFFFC00] =	vst v1;
	v3 =	vld.idx.msk [tilespmem:v0+s24+$0x400 ss:$0x1], $0xffff  }
0x37: {  	v6 =	vld [tilespmem:s17+$0x3D0];
	s25 =	sshll.u32 s25, $0x9;
	[tilespmem:s18+$0xFFFFFC10] =	vst v4;
	s24 =	sand.u32 $0xFFFFFC00, s31  }
0x38: {  	v5 =	vld [tilespmem:s17+$0x3E0];
	[tilespmem:s18+$0xFFFFFC20] =	vst v7;
	s24 =	sor.u32 s25, s24  }
0x39: {  	[tilespmem:s18+$0xFFFFFC30] =	vst v8;
	v4 =	vld [tilespmem:s17+$0x400];
	s24 =	sshrl.u32 s24, $0x2  }
0x3a: {  	[tilespmem:s18+$0xFFFFFC40] =	vst v9;
	v1 =	vld [tilespmem:s17+$0x410];
	s24 =	sadd.s32 s24, s20  }
0x3b: {  	[tilespmem:s24+$0x0] =	vst v3;
	v3 =	vld [tilespmem:s17+$0x3F0]  }
0x3c: {  	s28 =	simm.s32 $0x80;
	s27 =	simm.s32 $0x100;
	[tilespmem:s18+$0xFFFFFC50] =	vst v10;
	v2 =	vld [tilespmem:s17+$0x420]  }
0x3d: {  	s26 =	smov.u32 s18;
	s29 =	sand.u32 $0x300, s28;
	v7 =	vld [tilespmem:s17+$0xFFFFFFC0];
	[tilespmem:s18+$0xFFFFFC60] =	vst v11;
	s25 =	sadd.s32 $0x80, s17  }
.LBB1_4:
0x3e: {  	p2 =	sne.s32 s27, $0x380;
	v8 =	vld [tilespmem:s25+$0xFFFFFFD0];
	s28 =	sand.u32 $0x80, s28;
	s29 =	sadd.s32 s29, s19;
	[tilespmem:s26+$0x0] =	vst v6  }
0x3f: {  	s29 =	sadd.s32 s28, s29;
	v6 =	vld [tilespmem:s25+$0x430];
	[tilespmem:s26+$0x10] =	vst v5;
	s28 =	smov.u32 s27  }
0x40: {  	v5 =	vld.idx.msk [tilespmem:v0+s29+$0x400 ss:$0x1], $0xffff;
	[tilespmem:s26+$0x20] =	vst v3  }
0x41: {  	v3 =	vld [tilespmem:s25+$0xFFFFFFE0];
	[tilespmem:s26+$0x30] =	vst v4  }
0x42: {  	v4 =	vld [tilespmem:s25+$0xFFFFFFF0];
	[tilespmem:s26+$0xFFFFFBF0] =	vst v7  }
0x43: {  	v7 =	vld [tilespmem:s25+$0x0];
	[tilespmem:s26+$0x40] =	vst v1  }
0x44: {  	v1 =	vld [tilespmem:s25+$0x10];
	[tilespmem:s26+$0x50] =	vst v2;
	s26 =	sadd.s32 $0x800, s26  }
0x45: {  	s24 =	sadd.s32 $0x800, s24;
	v2 =	vld [tilespmem:s25+$0x20];
	[tilespmem:s26+$0x60] =	vst v6  }
0x46: {  	v9 =	vld [tilespmem:s25+$0x30];
	[tilespmem:s24+$0x0] =	vst v5  }
0x47: {  	[tilespmem:s26+$0xFFFFFC00] =	vst v8;
	v6 =	vld [tilespmem:s25+$0x3D0]  }
0x48: {  	[tilespmem:s26+$0xFFFFFC10] =	vst v3;
	v5 =	vld [tilespmem:s25+$0x3E0]  }
.Ltmp3:
0x49: {  	[tilespmem:s26+$0xFFFFFC20] =	vst v4;
	v3 =	vld [tilespmem:s25+$0x3F0];
	(pc) =	sbr.rel @p2 .LBB1_4-.Ltmp3, $4  }
0x4a: {  	[tilespmem:s26+$0xFFFFFC30] =	vst v7;
	v4 =	vld [tilespmem:s25+$0x400]  }
0x4b: {  	[tilespmem:s26+$0xFFFFFC40] =	vst v1;
	v1 =	vld [tilespmem:s25+$0x410]  }
0x4c: {  	[tilespmem:s26+$0xFFFFFC50] =	vst v2;
	v2 =	vld [tilespmem:s25+$0x420]  }
0x4d: {  	s27 =	sadd.s32 $0x80, s27;
	s29 =	sand.u32 $0x300, s28;
	v7 =	vld [tilespmem:s25+$0xFFFFFFC0];
	[tilespmem:s26+$0xFFFFFC60] =	vst v9;
	s25 =	sadd.s32 $0x80, s25  }
0x4e: {  	[tilespmem:s26+$0x0] =	vst v6  }
0x4f: {  	[tilespmem:s26+$0x10] =	vst v5  }
0x50: {  	v49 =	vld [tilespmem:s25+$0x430];
	[tilespmem:s26+$0x20] =	vst v3  }
0x51: {  	v50 =	vld [tilespmem:s25+$0xFFFFFFD0];
	[tilespmem:s26+$0x30] =	vst v4  }
0x52: {  	v51 =	vld [tilespmem:s25+$0xFFFFFFE0];
	[tilespmem:s26+$0x40] =	vst v1  }
0x53: {  	v52 =	vld [tilespmem:s25+$0xFFFFFFF0];
	[tilespmem:s26+$0x50] =	vst v2  }
0x54: {  	s31 =	sadd.s32 $0x800, s26;
	v53 =	vld [tilespmem:s25+$0x0];
	[tilespmem:s26+$0xFFFFFBF0] =	vst v7  }
0x55: {  	v54 =	vld [tilespmem:s25+$0x10];
	[tilespmem:s31+$0x60] =	vst v49  }
0x56: {  	v55 =	vld [tilespmem:s25+$0x20];
	[tilespmem:s31+$0xFFFFFC00] =	vst v50  }
0x57: {  	v56 =	vld [tilespmem:s25+$0x30];
	[tilespmem:s31+$0xFFFFFC10] =	vst v51  }
0x58: {  	v57 =	vld [tilespmem:s25+$0x3D0];
	[tilespmem:s31+$0xFFFFFC20] =	vst v52  }
0x59: {  	v58 =	vld [tilespmem:s25+$0x3E0];
	[tilespmem:s31+$0xFFFFFC30] =	vst v53  }
0x5a: {  	v59 =	vld [tilespmem:s25+$0x3F0];
	[tilespmem:s31+$0xFFFFFC40] =	vst v54  }
0x5b: {  	v60 =	vld [tilespmem:s25+$0x400];
	[tilespmem:s31+$0xFFFFFC50] =	vst v55  }
0x5c: {  	v61 =	vld [tilespmem:s25+$0xFFFFFFC0];
	[tilespmem:s31+$0xFFFFFC60] =	vst v56  }
0x5d: {  	s27 =	sand.u32 $0x80, s28;
	s30 =	sadd.s32 s29, s19;
	v62 =	vld [tilespmem:s25+$0x410];
	[tilespmem:s31+$0x0] =	vst v57  }
0x5e: {  	v63 =	vld [tilespmem:s25+$0x420];
	s23 =	sadd.s32 $0x1, s23;
	s27 =	sadd.s32 s27, s30;
	[tilespmem:s31+$0x10] =	vst v58  }
0x5f: {  	p2 =	sne.s32 s23, $0x8;
	v0 =	vld.idx.msk [tilespmem:v0+s27+$0x400 ss:$0x1], $0xffff;
	[tilespmem:s31+$0x20] =	vst v59  }
.Ltmp4:
0x60: {  	[tilespmem:s31+$0x30] =	vst v60;
	(pc) =	sbr.rel @p2 .LBB1_3-.Ltmp4, $4  }
0x61: {  	[tilespmem:s31+$0xFFFFFBF0] =	vst v61  }
0x62: {  	[tilespmem:s31+$0x40] =	vst v62  }
0x63: {  	s24 =	sadd.s32 $0x800, s24;
	s17 =	sadd.s32 $0x800, s17;
	[tilespmem:s31+$0x50] =	vst v63  }
0x64: {  	s22 =	sadd.s32 $0x80, s22;
	p1 =	por !p1, !p1;
	s18 =	sadd.s32 $0x80, s18;
	[tilespmem:s24+$0x0] =	vst v0  }
0x65: {  	s15 =	sshll.u32 s15, $0x7  }
0x66: {  	s17 =	sand.u32 $0x78, s12;
	s14 =	sshll.u32 s14, $0x10;
	s13 =	sshll.u32 s13, $0xD  }
0x67: {  	s30 =	sand.u32 $0x7, s12;
	s18 =	sand.u32 $0x380, s15;
	s15 =	sand.u32 $0x1C00, s15  }
.Ltmp5:
0x68: {  	s14 =	sadd.s32 s2, s14;
	s17 =	sor.u32 s18, s17;
	(pc) =	sbr.rel .LBB1_7-.Ltmp5, $4  }
0x69: {  	s15 =	sadd.s32 s12, s15;
	s13 =	sadd.s32 s13, s14;
	s17 =	sshrl.u32 s17, $0x3  }
0x6a: {  	s12 =	sshll.u32 s30, $0x12;
	s31 =	sand.u32 $0x1F80, s15;
	s13 =	sadd.s32 s17, s13  }
0x6b: {  	s12 =	sor.u32 $0x800, s12;
	s13 =	sadd.s32 s31, s13  }
0x6c: {  	[hbm4b:s13+s12] =	stream.strided.scatter [tilespmem:s16], [sflag:$0x2], $0x4000, s6, s12, $0x38;
	[tilespmem:$0x10000] =	vst v63  }
.LBB1_8:
0x6d: {  	_ =	sfence.sel $0x180000  }
0x6e: {  	s2 =	simm.s32 $0x1;
	[bflag:$0x0] =	sbarrier.arrive $0xFFFF  }
0x6f: {  	s31 =	simm.s32 $0x2;
	[sflag:s2] =	ssyncpa.u1 $0x1  }
0x70: {  	[sflag:s31] =	ssyncpa.u1 $0x1  }
0x71: {  	p0 =	sne.s32 s1, $0x0;
	_ =	strace $0x90000047  }
0x72: {  	s0 =	sadd.s32 @!p0 $0x100000, s0;
	[bflag:$0x2] =	sbarrier.arrive $0xFFFF  }
0x73: {  	[sflag:s0] =	ssyncadd.tile.s32 @!p0 $0x1;
	_ =	shalt  }
.Lfunc_end1:
_tile_overlayer_lowered:
.L_overlay_start_2:
0x74: {  	(tag) =	ssettag $0x2  }
0x75: {  	s0 =	rddreg [dreg:$0x0];
	s2 =	stileid.u32  }
0x76: {  	s1 =	rddreg [dreg:$0x1];
	p0 =	sne.s32 s2, $0x0  }
0x77: {  	s3 =	rddreg [dreg:$0x2];
	[bflag:$0x3] =	sbarrier.arrive $0xFFFF;
	s2 =	simm.s32 @!p0 $0x1C01  }
0x78: {  	[timem:s3], [sflag:s2] =	dma.local @!p0 [hbm:s0], s1  }
0x79: {  	s0 =	simm.s32 @!p0 $0x1  }
0x7a: {  	_ =	swait.ge @!p0 [sflag:s0], s1  }
0x7b: {  	s1 =	ssub.s32 @!p0 $0x0, s1;
	[sflag:s0] =	ssyncset.done @!p0 $0x0  }
0x7c: {  	[sflag:s0] =	ssyncadd.s32 @!p0 s1  }
0x7d: {  	[bflag:$0x3] =	sbarrier.arrive $0xFFFF  }
0x7e: {  	_ =	shalt  }

</sc_bundles>
